<compile_context>
chip_gen: v7x
topology: tpu7x:2x2x1
jax: 0.10.2.dev20260603
libtpu: 0.0.44.dev20260713+nightly
codegen_flags: <defaults>
</compile_context>

<pallas_src>
import functools

import jax
import jax.numpy as jnp
from jax import lax
from jax.experimental import pallas as pl
from jax.experimental.pallas import tpu as pltpu
from jax.experimental.pallas import tpu_sc as plsc

VOCAB = 1000000
EMBED = 32
INPUT_SIZE = 50
BATCH = 16384

NUM_CORES = 2
NUM_SUBCORES = 16
NW = NUM_CORES * NUM_SUBCORES
ROWS_PER_W = BATCH // NW
CHUNK = 32
NCHUNKS = ROWS_PER_W // CHUNK
IDX_PER_CHUNK = CHUNK * INPUT_SIZE
FLAT = INPUT_SIZE * EMBED
RB = 8
NB = CHUNK // RB


def _disc_body(x_hbm, tab_hbm, w_hbm, b_hbm, part_hbm,
               idx_a, idx_b, buf_a, buf_b, wv, bv, partials, sem_a, sem_b):
    cid = lax.axis_index("c")
    sid = lax.axis_index("s")
    wid = sid * NUM_CORES + cid

    pltpu.sync_copy(w_hbm, wv)
    pltpu.sync_copy(b_hbm, bv)

    def fire(idx_ref, buf_ref, sem, c):
        xoff = wid * (NCHUNKS * IDX_PER_CHUNK) + c * IDX_PER_CHUNK
        pltpu.sync_copy(x_hbm.at[pl.ds(xoff, IDX_PER_CHUNK)], idx_ref)
        pltpu.async_copy(tab_hbm.at[idx_ref], buf_ref, sem)

    def drain(buf_ref, sem):
        pltpu.make_async_copy(
            tab_hbm.at[pl.ds(0, IDX_PER_CHUNK)], buf_ref, sem
        ).wait()

    def compute(buf_ref, c):
        bias = bv[...]

        def blk_body(t, bcarry):
            r0 = t * RB

            def j_body(j, accs):
                w0 = wv[pl.ds(j * 32, 16)]
                w1 = wv[pl.ds(j * 32 + 16, 16)]
                out = []
                for rr in range(RB):
                    g = (r0 + rr) * INPUT_SIZE + j
                    out.append(accs[2 * rr] + buf_ref[g, pl.ds(0, 16)] * w0)
                    out.append(accs[2 * rr + 1] + buf_ref[g, pl.ds(16, 16)] * w1)
                return tuple(out)

            zero = jnp.zeros((16,), jnp.float32)
            accs = lax.fori_loop(0, INPUT_SIZE, j_body, (zero,) * (2 * RB))
            for rr in range(RB):
                partials[pl.ds((r0 + rr) * 16, 16)] = (
                    accs[2 * rr] + accs[2 * rr + 1] + bias
                )
            return bcarry

        lax.fori_loop(0, NB, blk_body, 0)
        row0 = wid * ROWS_PER_W + c * CHUNK
        pltpu.sync_copy(partials, part_hbm.at[pl.ds(row0 * 16, CHUNK * 16)])

    fire(idx_a, buf_a, sem_a, 0)

    def m_body(m, carry):
        fire(idx_b, buf_b, sem_b, 2 * m + 1)
        drain(buf_a, sem_a)
        compute(buf_a, 2 * m)

        @pl.when(m < NCHUNKS // 2 - 1)
        def _():
            fire(idx_a, buf_a, sem_a, 2 * m + 2)

        drain(buf_b, sem_b)
        compute(buf_b, 2 * m + 1)
        return carry

    lax.fori_loop(0, NCHUNKS // 2, m_body, 0)


def _finalize_body(p_ref, o_ref):
    z = jnp.sum(p_ref[...], axis=1, keepdims=True)
    o_ref[...] = 1.0 / (1.0 + jnp.exp(-z))


def kernel(x, table, W, b):
    xf = x.astype(jnp.int32).reshape(BATCH * INPUT_SIZE)
    t128 = lax.optimization_barrier(table.reshape(VOCAB // 4, EMBED * 4))
    t2 = t128.reshape(VOCAB, EMBED)
    wf = W.reshape(FLAT).astype(jnp.float32)
    b16 = jnp.where(jnp.arange(16) == 0, b[0].astype(jnp.float32), 0.0)

    mesh = plsc.VectorSubcoreMesh(core_axis_name="c", subcore_axis_name="s")
    sc = pl.kernel(
        _disc_body,
        out_type=jax.ShapeDtypeStruct((BATCH * 16,), jnp.float32),
        mesh=mesh,
        compiler_params=pltpu.CompilerParams(
            use_tc_tiling_on_sc=False, needs_layout_passes=False
        ),
        scratch_types=[
            pltpu.VMEM((IDX_PER_CHUNK,), jnp.int32),
            pltpu.VMEM((IDX_PER_CHUNK,), jnp.int32),
            pltpu.VMEM((IDX_PER_CHUNK, EMBED), jnp.float32),
            pltpu.VMEM((IDX_PER_CHUNK, EMBED), jnp.float32),
            pltpu.VMEM((FLAT,), jnp.float32),
            pltpu.VMEM((16,), jnp.float32),
            pltpu.VMEM((CHUNK * 16,), jnp.float32),
            pltpu.SemaphoreType.DMA,
            pltpu.SemaphoreType.DMA,
        ],
    )
    partials = sc(xf, t2, wf, b16).reshape(BATCH, 16)

    blk = 2048
    out = pl.pallas_call(
        _finalize_body,
        out_shape=jax.ShapeDtypeStruct((BATCH, 1), jnp.float32),
        grid=(BATCH // blk,),
        in_specs=[pl.BlockSpec((blk, 16), lambda i: (i, 0))],
        out_specs=pl.BlockSpec((blk, 1), lambda i: (i, 0)),
    )(partials)
    return out

# --- scband reference (transcript-rebuilt; emitter-appended) ---
"""Pipeline reference for scband-function-discriminator-2430951490030 (READ-ONLY COPY).

The authoritative reference and input builder live on the scoring server;
editing this copy changes nothing except your own understanding.
"""

import jax, jax.numpy as jnp
import numpy as np

VOCAB = 1000000
EMBED = 32
INPUT_SIZE = 50
BATCH = 16384

def setup_inputs(seed: int = 0) -> dict:
    key = jax.random.key(seed)
    k_x, k_tab, k_w, k_b = jax.random.split(key, 4)
    x = jax.random.randint(k_x, (BATCH, INPUT_SIZE), 0, VOCAB, dtype=jnp.int64 if jax.config.jax_enable_x64 else jnp.int32)
    table = jax.random.normal(k_tab, (VOCAB, EMBED), dtype=jnp.float32)
    # nn.Linear(input_size*embedding_size, 1)
    fan_in = INPUT_SIZE * EMBED
    bound = 1.0 / np.sqrt(fan_in)
    W = jax.random.uniform(k_w, (fan_in, 1), minval=-bound, maxval=bound, dtype=jnp.float32)
    b = jax.random.uniform(k_b, (1,), minval=-bound, maxval=bound, dtype=jnp.float32)
    return {"x": x, "table": table, "W": W, "b": b}

def reference(x, table, W, b):
    batch_size = x.shape[0]
    # embedding lookup (gather)
    e = jnp.take(table, x, axis=0)            # [B, input_size, embed]
    flat = e.reshape((batch_size, -1))         # [B, input_size*embed]
    logits = flat @ W + b                      # [B, 1]
    out = jax.nn.sigmoid(logits)
    return out

if __name__ == "__main__":
    import jax
    _d = setup_inputs()
    print(jax.jit(kernel)(*tuple(_d.values())))

</pallas_src>

<mosaic_0001>
#map = affine_map<(d0, d1) -> (0)>
#map1 = affine_map<(d0, d1) -> (0, 0)>
module attributes {stable_mosaic.version = 14 : i64} {
  func.func @_disc_body(%arg0: i32, %arg1: i32, %arg2: memref<819200xi32, #tpu.memory_space<hbm>>, %arg3: memref<1000000x32xf32, #tpu.memory_space<hbm>>, %arg4: memref<1600xf32, #tpu.memory_space<hbm>>, %arg5: memref<16xf32, #tpu.memory_space<hbm>>, %arg6: memref<262144xf32, #tpu.memory_space<hbm>>, %arg7: memref<1600xi32, #tpu.memory_space<vmem>>, %arg8: memref<1600xi32, #tpu.memory_space<vmem>>, %arg9: memref<1600x32xf32, #tpu.memory_space<vmem>>, %arg10: memref<1600x32xf32, #tpu.memory_space<vmem>>, %arg11: memref<1600xf32, #tpu.memory_space<vmem>>, %arg12: memref<16xf32, #tpu.memory_space<vmem>>, %arg13: memref<512xf32, #tpu.memory_space<vmem>>, %arg14: memref<!tpu.dma_semaphore, #tpu.memory_space<semaphore_mem>>, %arg15: memref<!tpu.dma_semaphore, #tpu.memory_space<semaphore_mem>>) attributes {dimension_semantics = [#tpu.dimension_semantics<core_parallel>, #tpu.dimension_semantics<subcore_parallel>], iteration_bounds = array<i64: 2, 16>, scalar_prefetch = 0 : i64, scratch_operands = 9 : i64, tpu.core_type = #tpu.core_type<sc_vector_subcore>, window_params = [{transform_indices = #map}, {transform_indices = #map1}, {transform_indices = #map}, {transform_indices = #map}, {transform_indices = #map}]} {
    %mul3A = arith.constant 2 : i32
    %mul3A_0 = arith.muli %arg1, %mul3A : i32
    %add3A = arith.addi %mul3A_0, %arg0 : i32
    "tpu.region"() ({
      %run_scoped3A = tpu.sem_alloc : memref<!tpu.dma_semaphore, #tpu.memory_space<semaphore_mem>>
      tpu.enqueue_dma source(%arg4 : memref<1600xf32, #tpu.memory_space<hbm>>) target(%arg11 : memref<1600xf32, #tpu.memory_space<vmem>>) target_semaphore(%run_scoped3A : memref<!tpu.dma_semaphore, #tpu.memory_space<semaphore_mem>>)
      tpu.wait_dma2 semaphore(%run_scoped3A : memref<!tpu.dma_semaphore, #tpu.memory_space<semaphore_mem>>) src(%arg4 : memref<1600xf32, #tpu.memory_space<hbm>>) dst(%arg11 : memref<1600xf32, #tpu.memory_space<vmem>>)
      tpu.yield
    }) : () -> ()
    "tpu.region"() ({
      %run_scoped3A = tpu.sem_alloc : memref<!tpu.dma_semaphore, #tpu.memory_space<semaphore_mem>>
      tpu.enqueue_dma source(%arg5 : memref<16xf32, #tpu.memory_space<hbm>>) target(%arg12 : memref<16xf32, #tpu.memory_space<vmem>>) target_semaphore(%run_scoped3A : memref<!tpu.dma_semaphore, #tpu.memory_space<semaphore_mem>>)
      tpu.wait_dma2 semaphore(%run_scoped3A : memref<!tpu.dma_semaphore, #tpu.memory_space<semaphore_mem>>) src(%arg5 : memref<16xf32, #tpu.memory_space<hbm>>) dst(%arg12 : memref<16xf32, #tpu.memory_space<vmem>>)
      tpu.yield
    }) : () -> ()
    %mul3A_1 = arith.constant 25600 : i32
    %mul3A_2 = arith.muli %add3A, %mul3A_1 : i32
    %add3A_3 = arith.constant 0 : i32
    %add3A_4 = arith.addi %mul3A_2, %add3A_3 : i32
    "tpu.region"() ({
      %run_scoped3A = tpu.sem_alloc : memref<!tpu.dma_semaphore, #tpu.memory_space<semaphore_mem>>
      %dma_start3A_12 = tpu.memref_slice %arg2[%add3A_4] : memref<819200xi32, #tpu.memory_space<hbm>> -> memref<1600xi32, #tpu.memory_space<hbm>>
      %dma_start3A_13 = tpu.memref_slice %arg2[%add3A_4] : memref<819200xi32, #tpu.memory_space<hbm>> -> memref<1600xi32, #tpu.memory_space<hbm>>
      tpu.enqueue_dma source(%dma_start3A_13 : memref<1600xi32, #tpu.memory_space<hbm>>) target(%arg7 : memref<1600xi32, #tpu.memory_space<vmem>>) target_semaphore(%run_scoped3A : memref<!tpu.dma_semaphore, #tpu.memory_space<semaphore_mem>>)
      %dma_wait3A = tpu.memref_slice %arg2[%add3A_4] : memref<819200xi32, #tpu.memory_space<hbm>> -> memref<1600xi32, #tpu.memory_space<hbm>>
      %dma_wait3A_14 = tpu.memref_slice %arg2[%add3A_4] : memref<819200xi32, #tpu.memory_space<hbm>> -> memref<1600xi32, #tpu.memory_space<hbm>>
      tpu.wait_dma2 semaphore(%run_scoped3A : memref<!tpu.dma_semaphore, #tpu.memory_space<semaphore_mem>>) src(%dma_wait3A_14 : memref<1600xi32, #tpu.memory_space<hbm>>) dst(%arg7 : memref<1600xi32, #tpu.memory_space<vmem>>)
      tpu.yield
    }) : () -> ()
    %dma_start3A = arith.constant 0 : i32
    %dma_start3A_5 = arith.constant 0 : i32
    %dma_start3A_6 = tpu.memref_slice %arg3[%dma_start3A, %dma_start3A_5] : memref<1000000x32xf32, #tpu.memory_space<hbm>> -> memref<1000000x32xf32, #tpu.memory_space<hbm>>
    tpu.enqueue_indirect_dma source(%dma_start3A_6 : memref<1000000x32xf32, #tpu.memory_space<hbm>>) target(%arg9 : memref<1600x32xf32, #tpu.memory_space<vmem>>) offsets(%arg7 : memref<1600xi32, #tpu.memory_space<vmem>>) semaphore(%arg14 : memref<!tpu.dma_semaphore, #tpu.memory_space<semaphore_mem>>)
    %scan3A = arith.constant 0 : i32
    %scan3A_7 = arith.constant 0 : i32
    %scan3A_8 = arith.constant 8 : i32
    %scan3A_9 = arith.addi %scan3A_7, %scan3A_8 : i32
    %scan3A_10 = arith.constant 1 : i32
    scf.for %scan3A_12 = %scan3A_7 to %scan3A_9 step %scan3A_10  : i32 {
      %mul3A_13 = arith.constant 2 : i32
      %mul3A_14 = arith.muli %mul3A_13, %scan3A_12 : i32
      %add3A_15 = arith.constant 1 : i32
      %add3A_16 = arith.addi %mul3A_14, %add3A_15 : i32
      %mul3A_17 = arith.constant 25600 : i32
      %mul3A_18 = arith.muli %add3A, %mul3A_17 : i32
      %mul3A_19 = arith.constant 1600 : i32
      %mul3A_20 = arith.muli %add3A_16, %mul3A_19 : i32
      %add3A_21 = arith.addi %mul3A_18, %mul3A_20 : i32
      "tpu.region"() ({
        %run_scoped3A = tpu.sem_alloc : memref<!tpu.dma_semaphore, #tpu.memory_space<semaphore_mem>>
        %dma_start3A_73 = tpu.memref_slice %arg2[%add3A_21] : memref<819200xi32, #tpu.memory_space<hbm>> -> memref<1600xi32, #tpu.memory_space<hbm>>
        %dma_start3A_74 = tpu.memref_slice %arg2[%add3A_21] : memref<819200xi32, #tpu.memory_space<hbm>> -> memref<1600xi32, #tpu.memory_space<hbm>>
        tpu.enqueue_dma source(%dma_start3A_74 : memref<1600xi32, #tpu.memory_space<hbm>>) target(%arg8 : memref<1600xi32, #tpu.memory_space<vmem>>) target_semaphore(%run_scoped3A : memref<!tpu.dma_semaphore, #tpu.memory_space<semaphore_mem>>)
        %dma_wait3A_75 = tpu.memref_slice %arg2[%add3A_21] : memref<819200xi32, #tpu.memory_space<hbm>> -> memref<1600xi32, #tpu.memory_space<hbm>>
        %dma_wait3A_76 = tpu.memref_slice %arg2[%add3A_21] : memref<819200xi32, #tpu.memory_space<hbm>> -> memref<1600xi32, #tpu.memory_space<hbm>>
        tpu.wait_dma2 semaphore(%run_scoped3A : memref<!tpu.dma_semaphore, #tpu.memory_space<semaphore_mem>>) src(%dma_wait3A_76 : memref<1600xi32, #tpu.memory_space<hbm>>) dst(%arg8 : memref<1600xi32, #tpu.memory_space<vmem>>)
        tpu.yield
      }) : () -> ()
      %dma_start3A_22 = arith.constant 0 : i32
      %dma_start3A_23 = arith.constant 0 : i32
      %dma_start3A_24 = tpu.memref_slice %arg3[%dma_start3A_22, %dma_start3A_23] : memref<1000000x32xf32, #tpu.memory_space<hbm>> -> memref<1000000x32xf32, #tpu.memory_space<hbm>>
      tpu.enqueue_indirect_dma source(%dma_start3A_24 : memref<1000000x32xf32, #tpu.memory_space<hbm>>) target(%arg10 : memref<1600x32xf32, #tpu.memory_space<vmem>>) offsets(%arg8 : memref<1600xi32, #tpu.memory_space<vmem>>) semaphore(%arg15 : memref<!tpu.dma_semaphore, #tpu.memory_space<semaphore_mem>>)
      %dma_wait3A = arith.constant 0 : i32
      %dma_wait3A_25 = arith.constant 0 : i32
      %dma_wait3A_26 = tpu.memref_slice %arg3[%dma_wait3A, %dma_wait3A_25] : memref<1000000x32xf32, #tpu.memory_space<hbm>> -> memref<1600x32xf32, #tpu.memory_space<hbm>>
      %dma_wait3A_27 = arith.constant 0 : i32
      %dma_wait3A_28 = arith.constant 0 : i32
      %dma_wait3A_29 = tpu.memref_slice %arg3[%dma_wait3A_27, %dma_wait3A_28] : memref<1000000x32xf32, #tpu.memory_space<hbm>> -> memref<1600x32xf32, #tpu.memory_space<hbm>>
      tpu.wait_dma2 semaphore(%arg14 : memref<!tpu.dma_semaphore, #tpu.memory_space<semaphore_mem>>) src(%dma_wait3A_29 : memref<1600x32xf32, #tpu.memory_space<hbm>>) dst(%arg9 : memref<1600x32xf32, #tpu.memory_space<vmem>>)
      %mul3A_30 = arith.constant 2 : i32
      %mul3A_31 = arith.muli %mul3A_30, %scan3A_12 : i32
      %get3A = arith.constant 0 : index
      %get3A_32 = tpu.vector_load %arg12[%get3A] {strides = array<i32>} : memref<16xf32, #tpu.memory_space<vmem>>, vector<16xf32>,
      %scan3A_33 = arith.constant 0 : i32
      %scan3A_34 = arith.constant 0 : i32
      %scan3A_35 = arith.constant 4 : i32
      %scan3A_36 = arith.addi %scan3A_34, %scan3A_35 : i32
      %scan3A_37 = arith.constant 1 : i32
      scf.for %scan3A_73 = %scan3A_34 to %scan3A_36 step %scan3A_37  : i32 {
        %mul3A_74 = arith.constant 8 : i32
        %mul3A_75 = arith.muli %scan3A_73, %mul3A_74 : i32
        %broadcast_in_dim3A = arith.constant 0.000000e+00 : f32
        %broadcast_in_dim3A_76 = vector.broadcast %broadcast_in_dim3A : f32 to vector<16xf32>
        %scan3A_77 = arith.constant 0 : i32
        %scan3A_78 = arith.constant 50 : i32
        %scan3A_79 = arith.addi %scan3A_77, %scan3A_78 : i32
        %scan3A_80 = arith.constant 1 : i32
        %scan3A_81:16 = scf.for %scan3A_146 = %scan3A_77 to %scan3A_79 step %scan3A_80 iter_args(%scan3A_147 = %broadcast_in_dim3A_76, %scan3A_148 = %broadcast_in_dim3A_76, %scan3A_149 = %broadcast_in_dim3A_76, %scan3A_150 = %broadcast_in_dim3A_76, %scan3A_151 = %broadcast_in_dim3A_76, %scan3A_152 = %broadcast_in_dim3A_76, %scan3A_153 = %broadcast_in_dim3A_76, %scan3A_154 = %broadcast_in_dim3A_76, %scan3A_155 = %broadcast_in_dim3A_76, %scan3A_156 = %broadcast_in_dim3A_76, %scan3A_157 = %broadcast_in_dim3A_76, %scan3A_158 = %broadcast_in_dim3A_76, %scan3A_159 = %broadcast_in_dim3A_76, %scan3A_160 = %broadcast_in_dim3A_76, %scan3A_161 = %broadcast_in_dim3A_76, %scan3A_162 = %broadcast_in_dim3A_76) -> (vector<16xf32>, vector<16xf32>, vector<16xf32>, vector<16xf32>, vector<16xf32>, vector<16xf32>, vector<16xf32>, vector<16xf32>, vector<16xf32>, vector<16xf32>, vector<16xf32>, vector<16xf32>, vector<16xf32>, vector<16xf32>, vector<16xf32>, vector<16xf32>)  : i32 {
          %mul3A_163 = arith.constant 32 : i32
          %mul3A_164 = arith.muli %scan3A_146, %mul3A_163 : i32
          %get3A_165 = arith.index_cast %mul3A_164 : i32 to index
          %get3A_166 = tpu.vector_load %arg11[%get3A_165] {strides = array<i32>} : memref<1600xf32, #tpu.memory_space<vmem>>, vector<16xf32>,
          %mul3A_167 = arith.constant 32 : i32
          %mul3A_168 = arith.muli %scan3A_146, %mul3A_167 : i32
          %add3A_169 = arith.constant 16 : i32
          %add3A_170 = arith.addi %mul3A_168, %add3A_169 : i32
          %get3A_171 = arith.index_cast %add3A_170 : i32 to index
          %get3A_172 = tpu.vector_load %arg11[%get3A_171] {strides = array<i32>} : memref<1600xf32, #tpu.memory_space<vmem>>, vector<16xf32>,
          %add3A_173 = arith.constant 0 : i32
          %add3A_174 = arith.addi %mul3A_75, %add3A_173 : i32
          %mul3A_175 = arith.constant 50 : i32
          %mul3A_176 = arith.muli %add3A_174, %mul3A_175 : i32
          %add3A_177 = arith.addi %mul3A_176, %scan3A_146 : i32
          %get3A_178 = arith.index_cast %add3A_177 : i32 to index
          %get3A_179 = arith.constant 0 : index
          %get3A_180 = tpu.vector_load %arg9[%get3A_178, %get3A_179] {strides = array<i32>} : memref<1600x32xf32, #tpu.memory_space<vmem>>, vector<16xf32>,
          %mul3A_181 = arith.mulf %get3A_180, %get3A_166 : vector<16xf32>
          %add3A_182 = arith.addf %scan3A_147, %mul3A_181 : vector<16xf32>
          %get3A_183 = arith.index_cast %add3A_177 : i32 to index
          %get3A_184 = arith.constant 16 : index
          %get3A_185 = tpu.vector_load %arg9[%get3A_183, %get3A_184] {strides = array<i32>} : memref<1600x32xf32, #tpu.memory_space<vmem>>, vector<16xf32>,
          %mul3A_186 = arith.mulf %get3A_185, %get3A_172 : vector<16xf32>
          %add3A_187 = arith.addf %scan3A_148, %mul3A_186 : vector<16xf32>
          %add3A_188 = arith.constant 1 : i32
          %add3A_189 = arith.addi %mul3A_75, %add3A_188 : i32
          %mul3A_190 = arith.constant 50 : i32
          %mul3A_191 = arith.muli %add3A_189, %mul3A_190 : i32
          %add3A_192 = arith.addi %mul3A_191, %scan3A_146 : i32
          %get3A_193 = arith.index_cast %add3A_192 : i32 to index
          %get3A_194 = arith.constant 0 : index
          %get3A_195 = tpu.vector_load %arg9[%get3A_193, %get3A_194] {strides = array<i32>} : memref<1600x32xf32, #tpu.memory_space<vmem>>, vector<16xf32>,
          %mul3A_196 = arith.mulf %get3A_195, %get3A_166 : vector<16xf32>
          %add3A_197 = arith.addf %scan3A_149, %mul3A_196 : vector<16xf32>
          %get3A_198 = arith.index_cast %add3A_192 : i32 to index
          %get3A_199 = arith.constant 16 : index
          %get3A_200 = tpu.vector_load %arg9[%get3A_198, %get3A_199] {strides = array<i32>} : memref<1600x32xf32, #tpu.memory_space<vmem>>, vector<16xf32>,
          %mul3A_201 = arith.mulf %get3A_200, %get3A_172 : vector<16xf32>
          %add3A_202 = arith.addf %scan3A_150, %mul3A_201 : vector<16xf32>
          %add3A_203 = arith.constant 2 : i32
          %add3A_204 = arith.addi %mul3A_75, %add3A_203 : i32
          %mul3A_205 = arith.constant 50 : i32
          %mul3A_206 = arith.muli %add3A_204, %mul3A_205 : i32
          %add3A_207 = arith.addi %mul3A_206, %scan3A_146 : i32
          %get3A_208 = arith.index_cast %add3A_207 : i32 to index
          %get3A_209 = arith.constant 0 : index
          %get3A_210 = tpu.vector_load %arg9[%get3A_208, %get3A_209] {strides = array<i32>} : memref<1600x32xf32, #tpu.memory_space<vmem>>, vector<16xf32>,
          %mul3A_211 = arith.mulf %get3A_210, %get3A_166 : vector<16xf32>
          %add3A_212 = arith.addf %scan3A_151, %mul3A_211 : vector<16xf32>
          %get3A_213 = arith.index_cast %add3A_207 : i32 to index
          %get3A_214 = arith.constant 16 : index
          %get3A_215 = tpu.vector_load %arg9[%get3A_213, %get3A_214] {strides = array<i32>} : memref<1600x32xf32, #tpu.memory_space<vmem>>, vector<16xf32>,
          %mul3A_216 = arith.mulf %get3A_215, %get3A_172 : vector<16xf32>
          %add3A_217 = arith.addf %scan3A_152, %mul3A_216 : vector<16xf32>
          %add3A_218 = arith.constant 3 : i32
          %add3A_219 = arith.addi %mul3A_75, %add3A_218 : i32
          %mul3A_220 = arith.constant 50 : i32
          %mul3A_221 = arith.muli %add3A_219, %mul3A_220 : i32
          %add3A_222 = arith.addi %mul3A_221, %scan3A_146 : i32
          %get3A_223 = arith.index_cast %add3A_222 : i32 to index
          %get3A_224 = arith.constant 0 : index
          %get3A_225 = tpu.vector_load %arg9[%get3A_223, %get3A_224] {strides = array<i32>} : memref<1600x32xf32, #tpu.memory_space<vmem>>, vector<16xf32>,
          %mul3A_226 = arith.mulf %get3A_225, %get3A_166 : vector<16xf32>
          %add3A_227 = arith.addf %scan3A_153, %mul3A_226 : vector<16xf32>
          %get3A_228 = arith.index_cast %add3A_222 : i32 to index
          %get3A_229 = arith.constant 16 : index
          %get3A_230 = tpu.vector_load %arg9[%get3A_228, %get3A_229] {strides = array<i32>} : memref<1600x32xf32, #tpu.memory_space<vmem>>, vector<16xf32>,
          %mul3A_231 = arith.mulf %get3A_230, %get3A_172 : vector<16xf32>
          %add3A_232 = arith.addf %scan3A_154, %mul3A_231 : vector<16xf32>
          %add3A_233 = arith.constant 4 : i32
          %add3A_234 = arith.addi %mul3A_75, %add3A_233 : i32
          %mul3A_235 = arith.constant 50 : i32
          %mul3A_236 = arith.muli %add3A_234, %mul3A_235 : i32
          %add3A_237 = arith.addi %mul3A_236, %scan3A_146 : i32
          %get3A_238 = arith.index_cast %add3A_237 : i32 to index
          %get3A_239 = arith.constant 0 : index
          %get3A_240 = tpu.vector_load %arg9[%get3A_238, %get3A_239] {strides = array<i32>} : memref<1600x32xf32, #tpu.memory_space<vmem>>, vector<16xf32>,
          %mul3A_241 = arith.mulf %get3A_240, %get3A_166 : vector<16xf32>
          %add3A_242 = arith.addf %scan3A_155, %mul3A_241 : vector<16xf32>
          %get3A_243 = arith.index_cast %add3A_237 : i32 to index
          %get3A_244 = arith.constant 16 : index
          %get3A_245 = tpu.vector_load %arg9[%get3A_243, %get3A_244] {strides = array<i32>} : memref<1600x32xf32, #tpu.memory_space<vmem>>, vector<16xf32>,
          %mul3A_246 = arith.mulf %get3A_245, %get3A_172 : vector<16xf32>
          %add3A_247 = arith.addf %scan3A_156, %mul3A_246 : vector<16xf32>
          %add3A_248 = arith.constant 5 : i32
          %add3A_249 = arith.addi %mul3A_75, %add3A_248 : i32
          %mul3A_250 = arith.constant 50 : i32
          %mul3A_251 = arith.muli %add3A_249, %mul3A_250 : i32
          %add3A_252 = arith.addi %mul3A_251, %scan3A_146 : i32
          %get3A_253 = arith.index_cast %add3A_252 : i32 to index
          %get3A_254 = arith.constant 0 : index
          %get3A_255 = tpu.vector_load %arg9[%get3A_253, %get3A_254] {strides = array<i32>} : memref<1600x32xf32, #tpu.memory_space<vmem>>, vector<16xf32>,
          %mul3A_256 = arith.mulf %get3A_255, %get3A_166 : vector<16xf32>
          %add3A_257 = arith.addf %scan3A_157, %mul3A_256 : vector<16xf32>
          %get3A_258 = arith.index_cast %add3A_252 : i32 to index
          %get3A_259 = arith.constant 16 : index
          %get3A_260 = tpu.vector_load %arg9[%get3A_258, %get3A_259] {strides = array<i32>} : memref<1600x32xf32, #tpu.memory_space<vmem>>, vector<16xf32>,
          %mul3A_261 = arith.mulf %get3A_260, %get3A_172 : vector<16xf32>
          %add3A_262 = arith.addf %scan3A_158, %mul3A_261 : vector<16xf32>
          %add3A_263 = arith.constant 6 : i32
          %add3A_264 = arith.addi %mul3A_75, %add3A_263 : i32
          %mul3A_265 = arith.constant 50 : i32
          %mul3A_266 = arith.muli %add3A_264, %mul3A_265 : i32
          %add3A_267 = arith.addi %mul3A_266, %scan3A_146 : i32
          %get3A_268 = arith.index_cast %add3A_267 : i32 to index
          %get3A_269 = arith.constant 0 : index
          %get3A_270 = tpu.vector_load %arg9[%get3A_268, %get3A_269] {strides = array<i32>} : memref<1600x32xf32, #tpu.memory_space<vmem>>, vector<16xf32>,
          %mul3A_271 = arith.mulf %get3A_270, %get3A_166 : vector<16xf32>
          %add3A_272 = arith.addf %scan3A_159, %mul3A_271 : vector<16xf32>
          %get3A_273 = arith.index_cast %add3A_267 : i32 to index
          %get3A_274 = arith.constant 16 : index
          %get3A_275 = tpu.vector_load %arg9[%get3A_273, %get3A_274] {strides = array<i32>} : memref<1600x32xf32, #tpu.memory_space<vmem>>, vector<16xf32>,
          %mul3A_276 = arith.mulf %get3A_275, %get3A_172 : vector<16xf32>
          %add3A_277 = arith.addf %scan3A_160, %mul3A_276 : vector<16xf32>
          %add3A_278 = arith.constant 7 : i32
          %add3A_279 = arith.addi %mul3A_75, %add3A_278 : i32
          %mul3A_280 = arith.constant 50 : i32
          %mul3A_281 = arith.muli %add3A_279, %mul3A_280 : i32
          %add3A_282 = arith.addi %mul3A_281, %scan3A_146 : i32
          %get3A_283 = arith.index_cast %add3A_282 : i32 to index
          %get3A_284 = arith.constant 0 : index
          %get3A_285 = tpu.vector_load %arg9[%get3A_283, %get3A_284] {strides = array<i32>} : memref<1600x32xf32, #tpu.memory_space<vmem>>, vector<16xf32>,
          %mul3A_286 = arith.mulf %get3A_285, %get3A_166 : vector<16xf32>
          %add3A_287 = arith.addf %scan3A_161, %mul3A_286 : vector<16xf32>
          %get3A_288 = arith.index_cast %add3A_282 : i32 to index
          %get3A_289 = arith.constant 16 : index
          %get3A_290 = tpu.vector_load %arg9[%get3A_288, %get3A_289] {strides = array<i32>} : memref<1600x32xf32, #tpu.memory_space<vmem>>, vector<16xf32>,
          %mul3A_291 = arith.mulf %get3A_290, %get3A_172 : vector<16xf32>
          %add3A_292 = arith.addf %scan3A_162, %mul3A_291 : vector<16xf32>
          scf.yield %add3A_182, %add3A_187, %add3A_197, %add3A_202, %add3A_212, %add3A_217, %add3A_227, %add3A_232, %add3A_242, %add3A_247, %add3A_257, %add3A_262, %add3A_272, %add3A_277, %add3A_287, %add3A_292 : vector<16xf32>, vector<16xf32>, vector<16xf32>, vector<16xf32>, vector<16xf32>, vector<16xf32>, vector<16xf32>, vector<16xf32>, vector<16xf32>, vector<16xf32>, vector<16xf32>, vector<16xf32>, vector<16xf32>, vector<16xf32>, vector<16xf32>, vector<16xf32>
        }
        %scan3A_82 = arith.constant 50 : i32
        %add3A_83 = arith.addf %scan3A_81#0, %scan3A_81#1 : vector<16xf32>
        %add3A_84 = arith.addf %add3A_83, %get3A_32 : vector<16xf32>
        %add3A_85 = arith.constant 0 : i32
        %add3A_86 = arith.addi %mul3A_75, %add3A_85 : i32
        %mul3A_87 = arith.constant 16 : i32
        %mul3A_88 = arith.muli %add3A_86, %mul3A_87 : i32
        %swap3A = arith.index_cast %mul3A_88 : i32 to index
        %swap3A_89 = tpu.vector_load %arg13[%swap3A] {strides = array<i32>} : memref<512xf32, #tpu.memory_space<vmem>>, vector<16xf32>,
        tpu.vector_store %arg13[%swap3A], %add3A_84 {strides = array<i32>} : memref<512xf32, #tpu.memory_space<vmem>>, vector<16xf32>,
        %add3A_90 = arith.addf %scan3A_81#2, %scan3A_81#3 : vector<16xf32>
        %add3A_91 = arith.addf %add3A_90, %get3A_32 : vector<16xf32>
        %add3A_92 = arith.constant 1 : i32
        %add3A_93 = arith.addi %mul3A_75, %add3A_92 : i32
        %mul3A_94 = arith.constant 16 : i32
        %mul3A_95 = arith.muli %add3A_93, %mul3A_94 : i32
        %swap3A_96 = arith.index_cast %mul3A_95 : i32 to index
        %swap3A_97 = tpu.vector_load %arg13[%swap3A_96] {strides = array<i32>} : memref<512xf32, #tpu.memory_space<vmem>>, vector<16xf32>,
        tpu.vector_store %arg13[%swap3A_96], %add3A_91 {strides = array<i32>} : memref<512xf32, #tpu.memory_space<vmem>>, vector<16xf32>,
        %add3A_98 = arith.addf %scan3A_81#4, %scan3A_81#5 : vector<16xf32>
        %add3A_99 = arith.addf %add3A_98, %get3A_32 : vector<16xf32>
        %add3A_100 = arith.constant 2 : i32
        %add3A_101 = arith.addi %mul3A_75, %add3A_100 : i32
        %mul3A_102 = arith.constant 16 : i32
        %mul3A_103 = arith.muli %add3A_101, %mul3A_102 : i32
        %swap3A_104 = arith.index_cast %mul3A_103 : i32 to index
        %swap3A_105 = tpu.vector_load %arg13[%swap3A_104] {strides = array<i32>} : memref<512xf32, #tpu.memory_space<vmem>>, vector<16xf32>,
        tpu.vector_store %arg13[%swap3A_104], %add3A_99 {strides = array<i32>} : memref<512xf32, #tpu.memory_space<vmem>>, vector<16xf32>,
        %add3A_106 = arith.addf %scan3A_81#6, %scan3A_81#7 : vector<16xf32>
        %add3A_107 = arith.addf %add3A_106, %get3A_32 : vector<16xf32>
        %add3A_108 = arith.constant 3 : i32
        %add3A_109 = arith.addi %mul3A_75, %add3A_108 : i32
        %mul3A_110 = arith.constant 16 : i32
        %mul3A_111 = arith.muli %add3A_109, %mul3A_110 : i32
        %swap3A_112 = arith.index_cast %mul3A_111 : i32 to index
        %swap3A_113 = tpu.vector_load %arg13[%swap3A_112] {strides = array<i32>} : memref<512xf32, #tpu.memory_space<vmem>>, vector<16xf32>,
        tpu.vector_store %arg13[%swap3A_112], %add3A_107 {strides = array<i32>} : memref<512xf32, #tpu.memory_space<vmem>>, vector<16xf32>,
        %add3A_114 = arith.addf %scan3A_81#8, %scan3A_81#9 : vector<16xf32>
        %add3A_115 = arith.addf %add3A_114, %get3A_32 : vector<16xf32>
        %add3A_116 = arith.constant 4 : i32
        %add3A_117 = arith.addi %mul3A_75, %add3A_116 : i32
        %mul3A_118 = arith.constant 16 : i32
        %mul3A_119 = arith.muli %add3A_117, %mul3A_118 : i32
        %swap3A_120 = arith.index_cast %mul3A_119 : i32 to index
        %swap3A_121 = tpu.vector_load %arg13[%swap3A_120] {strides = array<i32>} : memref<512xf32, #tpu.memory_space<vmem>>, vector<16xf32>,
        tpu.vector_store %arg13[%swap3A_120], %add3A_115 {strides = array<i32>} : memref<512xf32, #tpu.memory_space<vmem>>, vector<16xf32>,
        %add3A_122 = arith.addf %scan3A_81#10, %scan3A_81#11 : vector<16xf32>
        %add3A_123 = arith.addf %add3A_122, %get3A_32 : vector<16xf32>
        %add3A_124 = arith.constant 5 : i32
        %add3A_125 = arith.addi %mul3A_75, %add3A_124 : i32
        %mul3A_126 = arith.constant 16 : i32
        %mul3A_127 = arith.muli %add3A_125, %mul3A_126 : i32
        %swap3A_128 = arith.index_cast %mul3A_127 : i32 to index
        %swap3A_129 = tpu.vector_load %arg13[%swap3A_128] {strides = array<i32>} : memref<512xf32, #tpu.memory_space<vmem>>, vector<16xf32>,
        tpu.vector_store %arg13[%swap3A_128], %add3A_123 {strides = array<i32>} : memref<512xf32, #tpu.memory_space<vmem>>, vector<16xf32>,
        %add3A_130 = arith.addf %scan3A_81#12, %scan3A_81#13 : vector<16xf32>
        %add3A_131 = arith.addf %add3A_130, %get3A_32 : vector<16xf32>
        %add3A_132 = arith.constant 6 : i32
        %add3A_133 = arith.addi %mul3A_75, %add3A_132 : i32
        %mul3A_134 = arith.constant 16 : i32
        %mul3A_135 = arith.muli %add3A_133, %mul3A_134 : i32
        %swap3A_136 = arith.index_cast %mul3A_135 : i32 to index
        %swap3A_137 = tpu.vector_load %arg13[%swap3A_136] {strides = array<i32>} : memref<512xf32, #tpu.memory_space<vmem>>, vector<16xf32>,
        tpu.vector_store %arg13[%swap3A_136], %add3A_131 {strides = array<i32>} : memref<512xf32, #tpu.memory_space<vmem>>, vector<16xf32>,
        %add3A_138 = arith.addf %scan3A_81#14, %scan3A_81#15 : vector<16xf32>
        %add3A_139 = arith.addf %add3A_138, %get3A_32 : vector<16xf32>
        %add3A_140 = arith.constant 7 : i32
        %add3A_141 = arith.addi %mul3A_75, %add3A_140 : i32
        %mul3A_142 = arith.constant 16 : i32
        %mul3A_143 = arith.muli %add3A_141, %mul3A_142 : i32
        %swap3A_144 = arith.index_cast %mul3A_143 : i32 to index
        %swap3A_145 = tpu.vector_load %arg13[%swap3A_144] {strides = array<i32>} : memref<512xf32, #tpu.memory_space<vmem>>, vector<16xf32>,
        tpu.vector_store %arg13[%swap3A_144], %add3A_139 {strides = array<i32>} : memref<512xf32, #tpu.memory_space<vmem>>, vector<16xf32>,
      }
      %scan3A_38 = arith.constant 4 : i32
      %mul3A_39 = arith.constant 512 : i32
      %mul3A_40 = arith.muli %add3A, %mul3A_39 : i32
      %mul3A_41 = arith.constant 32 : i32
      %mul3A_42 = arith.muli %mul3A_31, %mul3A_41 : i32
      %add3A_43 = arith.addi %mul3A_40, %mul3A_42 : i32
      %mul3A_44 = arith.constant 16 : i32
      %mul3A_45 = arith.muli %add3A_43, %mul3A_44 : i32
      "tpu.region"() ({
        %run_scoped3A = tpu.sem_alloc : memref<!tpu.dma_semaphore, #tpu.memory_space<semaphore_mem>>
        %dma_start3A_73 = tpu.memref_slice %arg6[%mul3A_45] : memref<262144xf32, #tpu.memory_space<hbm>> -> memref<512xf32, #tpu.memory_space<hbm>>
        %dma_start3A_74 = tpu.memref_slice %arg6[%mul3A_45] : memref<262144xf32, #tpu.memory_space<hbm>> -> memref<512xf32, #tpu.memory_space<hbm>>
        tpu.enqueue_dma source(%arg13 : memref<512xf32, #tpu.memory_space<vmem>>) target(%dma_start3A_74 : memref<512xf32, #tpu.memory_space<hbm>>) target_semaphore(%run_scoped3A : memref<!tpu.dma_semaphore, #tpu.memory_space<semaphore_mem>>)
        %dma_wait3A_75 = tpu.memref_slice %arg6[%mul3A_45] : memref<262144xf32, #tpu.memory_space<hbm>> -> memref<512xf32, #tpu.memory_space<hbm>>
        %dma_wait3A_76 = tpu.memref_slice %arg6[%mul3A_45] : memref<262144xf32, #tpu.memory_space<hbm>> -> memref<512xf32, #tpu.memory_space<hbm>>
        tpu.wait_dma2 semaphore(%run_scoped3A : memref<!tpu.dma_semaphore, #tpu.memory_space<semaphore_mem>>) src(%arg13 : memref<512xf32, #tpu.memory_space<vmem>>) dst(%dma_wait3A_76 : memref<512xf32, #tpu.memory_space<hbm>>)
        tpu.yield
      }) : () -> ()
      %lt3A = arith.constant 7 : i32
      %lt3A_46 = arith.cmpi slt, %scan3A_12, %lt3A : i32
      %convert_element_type3A = arith.extui %lt3A_46 : i1 to i32
      %cond3A = arith.constant 0 : i32
      %cond3A_47 = arith.cmpi ne, %convert_element_type3A, %cond3A : i32
      scf.if %cond3A_47 {
        %mul3A_73 = arith.constant 2 : i32
        %mul3A_74 = arith.muli %mul3A_73, %scan3A_12 : i32
        %add3A_75 = arith.constant 2 : i32
        %add3A_76 = arith.addi %mul3A_74, %add3A_75 : i32
        %mul3A_77 = arith.constant 25600 : i32
        %mul3A_78 = arith.muli %add3A, %mul3A_77 : i32
        %mul3A_79 = arith.constant 1600 : i32
        %mul3A_80 = arith.muli %add3A_76, %mul3A_79 : i32
        %add3A_81 = arith.addi %mul3A_78, %mul3A_80 : i32
        "tpu.region"() ({
          %run_scoped3A = tpu.sem_alloc : memref<!tpu.dma_semaphore, #tpu.memory_space<semaphore_mem>>
          %dma_start3A_85 = tpu.memref_slice %arg2[%add3A_81] : memref<819200xi32, #tpu.memory_space<hbm>> -> memref<1600xi32, #tpu.memory_space<hbm>>
          %dma_start3A_86 = tpu.memref_slice %arg2[%add3A_81] : memref<819200xi32, #tpu.memory_space<hbm>> -> memref<1600xi32, #tpu.memory_space<hbm>>
          tpu.enqueue_dma source(%dma_start3A_86 : memref<1600xi32, #tpu.memory_space<hbm>>) target(%arg7 : memref<1600xi32, #tpu.memory_space<vmem>>) target_semaphore(%run_scoped3A : memref<!tpu.dma_semaphore, #tpu.memory_space<semaphore_mem>>)
          %dma_wait3A_87 = tpu.memref_slice %arg2[%add3A_81] : memref<819200xi32, #tpu.memory_space<hbm>> -> memref<1600xi32, #tpu.memory_space<hbm>>
          %dma_wait3A_88 = tpu.memref_slice %arg2[%add3A_81] : memref<819200xi32, #tpu.memory_space<hbm>> -> memref<1600xi32, #tpu.memory_space<hbm>>
          tpu.wait_dma2 semaphore(%run_scoped3A : memref<!tpu.dma_semaphore, #tpu.memory_space<semaphore_mem>>) src(%dma_wait3A_88 : memref<1600xi32, #tpu.memory_space<hbm>>) dst(%arg7 : memref<1600xi32, #tpu.memory_space<vmem>>)
          tpu.yield
        }) : () -> ()
        %dma_start3A_82 = arith.constant 0 : i32
        %dma_start3A_83 = arith.constant 0 : i32
        %dma_start3A_84 = tpu.memref_slice %arg3[%dma_start3A_82, %dma_start3A_83] : memref<1000000x32xf32, #tpu.memory_space<hbm>> -> memref<1000000x32xf32, #tpu.memory_space<hbm>>
        tpu.enqueue_indirect_dma source(%dma_start3A_84 : memref<1000000x32xf32, #tpu.memory_space<hbm>>) target(%arg9 : memref<1600x32xf32, #tpu.memory_space<vmem>>) offsets(%arg7 : memref<1600xi32, #tpu.memory_space<vmem>>) semaphore(%arg14 : memref<!tpu.dma_semaphore, #tpu.memory_space<semaphore_mem>>)
      } else {
      }
      %dma_wait3A_48 = arith.constant 0 : i32
      %dma_wait3A_49 = arith.constant 0 : i32
      %dma_wait3A_50 = tpu.memref_slice %arg3[%dma_wait3A_48, %dma_wait3A_49] : memref<1000000x32xf32, #tpu.memory_space<hbm>> -> memref<1600x32xf32, #tpu.memory_space<hbm>>
      %dma_wait3A_51 = arith.constant 0 : i32
      %dma_wait3A_52 = arith.constant 0 : i32
      %dma_wait3A_53 = tpu.memref_slice %arg3[%dma_wait3A_51, %dma_wait3A_52] : memref<1000000x32xf32, #tpu.memory_space<hbm>> -> memref<1600x32xf32, #tpu.memory_space<hbm>>
      tpu.wait_dma2 semaphore(%arg15 : memref<!tpu.dma_semaphore, #tpu.memory_space<semaphore_mem>>) src(%dma_wait3A_53 : memref<1600x32xf32, #tpu.memory_space<hbm>>) dst(%arg10 : memref<1600x32xf32, #tpu.memory_space<vmem>>)
      %mul3A_54 = arith.constant 2 : i32
      %mul3A_55 = arith.muli %mul3A_54, %scan3A_12 : i32
      %add3A_56 = arith.constant 1 : i32
      %add3A_57 = arith.addi %mul3A_55, %add3A_56 : i32
      %get3A_58 = arith.constant 0 : index
      %get3A_59 = tpu.vector_load %arg12[%get3A_58] {strides = array<i32>} : memref<16xf32, #tpu.memory_space<vmem>>, vector<16xf32>,
      %scan3A_60 = arith.constant 0 : i32
      %scan3A_61 = arith.constant 0 : i32
      %scan3A_62 = arith.constant 4 : i32
      %scan3A_63 = arith.addi %scan3A_61, %scan3A_62 : i32
      %scan3A_64 = arith.constant 1 : i32
      scf.for %scan3A_73 = %scan3A_61 to %scan3A_63 step %scan3A_64  : i32 {
        %mul3A_74 = arith.constant 8 : i32
        %mul3A_75 = arith.muli %scan3A_73, %mul3A_74 : i32
        %broadcast_in_dim3A = arith.constant 0.000000e+00 : f32
        %broadcast_in_dim3A_76 = vector.broadcast %broadcast_in_dim3A : f32 to vector<16xf32>
        %scan3A_77 = arith.constant 0 : i32
        %scan3A_78 = arith.constant 50 : i32
        %scan3A_79 = arith.addi %scan3A_77, %scan3A_78 : i32
        %scan3A_80 = arith.constant 1 : i32
        %scan3A_81:16 = scf.for %scan3A_146 = %scan3A_77 to %scan3A_79 step %scan3A_80 iter_args(%scan3A_147 = %broadcast_in_dim3A_76, %scan3A_148 = %broadcast_in_dim3A_76, %scan3A_149 = %broadcast_in_dim3A_76, %scan3A_150 = %broadcast_in_dim3A_76, %scan3A_151 = %broadcast_in_dim3A_76, %scan3A_152 = %broadcast_in_dim3A_76, %scan3A_153 = %broadcast_in_dim3A_76, %scan3A_154 = %broadcast_in_dim3A_76, %scan3A_155 = %broadcast_in_dim3A_76, %scan3A_156 = %broadcast_in_dim3A_76, %scan3A_157 = %broadcast_in_dim3A_76, %scan3A_158 = %broadcast_in_dim3A_76, %scan3A_159 = %broadcast_in_dim3A_76, %scan3A_160 = %broadcast_in_dim3A_76, %scan3A_161 = %broadcast_in_dim3A_76, %scan3A_162 = %broadcast_in_dim3A_76) -> (vector<16xf32>, vector<16xf32>, vector<16xf32>, vector<16xf32>, vector<16xf32>, vector<16xf32>, vector<16xf32>, vector<16xf32>, vector<16xf32>, vector<16xf32>, vector<16xf32>, vector<16xf32>, vector<16xf32>, vector<16xf32>, vector<16xf32>, vector<16xf32>)  : i32 {
          %mul3A_163 = arith.constant 32 : i32
          %mul3A_164 = arith.muli %scan3A_146, %mul3A_163 : i32
          %get3A_165 = arith.index_cast %mul3A_164 : i32 to index
          %get3A_166 = tpu.vector_load %arg11[%get3A_165] {strides = array<i32>} : memref<1600xf32, #tpu.memory_space<vmem>>, vector<16xf32>,
          %mul3A_167 = arith.constant 32 : i32
          %mul3A_168 = arith.muli %scan3A_146, %mul3A_167 : i32
          %add3A_169 = arith.constant 16 : i32
          %add3A_170 = arith.addi %mul3A_168, %add3A_169 : i32
          %get3A_171 = arith.index_cast %add3A_170 : i32 to index
          %get3A_172 = tpu.vector_load %arg11[%get3A_171] {strides = array<i32>} : memref<1600xf32, #tpu.memory_space<vmem>>, vector<16xf32>,
          %add3A_173 = arith.constant 0 : i32
          %add3A_174 = arith.addi %mul3A_75, %add3A_173 : i32
          %mul3A_175 = arith.constant 50 : i32
          %mul3A_176 = arith.muli %add3A_174, %mul3A_175 : i32
          %add3A_177 = arith.addi %mul3A_176, %scan3A_146 : i32
          %get3A_178 = arith.index_cast %add3A_177 : i32 to index
          %get3A_179 = arith.constant 0 : index
          %get3A_180 = tpu.vector_load %arg10[%get3A_178, %get3A_179] {strides = array<i32>} : memref<1600x32xf32, #tpu.memory_space<vmem>>, vector<16xf32>,
          %mul3A_181 = arith.mulf %get3A_180, %get3A_166 : vector<16xf32>
          %add3A_182 = arith.addf %scan3A_147, %mul3A_181 : vector<16xf32>
          %get3A_183 = arith.index_cast %add3A_177 : i32 to index
          %get3A_184 = arith.constant 16 : index
          %get3A_185 = tpu.vector_load %arg10[%get3A_183, %get3A_184] {strides = array<i32>} : memref<1600x32xf32, #tpu.memory_space<vmem>>, vector<16xf32>,
          %mul3A_186 = arith.mulf %get3A_185, %get3A_172 : vector<16xf32>
          %add3A_187 = arith.addf %scan3A_148, %mul3A_186 : vector<16xf32>
          %add3A_188 = arith.constant 1 : i32
          %add3A_189 = arith.addi %mul3A_75, %add3A_188 : i32
          %mul3A_190 = arith.constant 50 : i32
          %mul3A_191 = arith.muli %add3A_189, %mul3A_190 : i32
          %add3A_192 = arith.addi %mul3A_191, %scan3A_146 : i32
          %get3A_193 = arith.index_cast %add3A_192 : i32 to index
          %get3A_194 = arith.constant 0 : index
          %get3A_195 = tpu.vector_load %arg10[%get3A_193, %get3A_194] {strides = array<i32>} : memref<1600x32xf32, #tpu.memory_space<vmem>>, vector<16xf32>,
          %mul3A_196 = arith.mulf %get3A_195, %get3A_166 : vector<16xf32>
          %add3A_197 = arith.addf %scan3A_149, %mul3A_196 : vector<16xf32>
          %get3A_198 = arith.index_cast %add3A_192 : i32 to index
          %get3A_199 = arith.constant 16 : index
          %get3A_200 = tpu.vector_load %arg10[%get3A_198, %get3A_199] {strides = array<i32>} : memref<1600x32xf32, #tpu.memory_space<vmem>>, vector<16xf32>,
          %mul3A_201 = arith.mulf %get3A_200, %get3A_172 : vector<16xf32>
          %add3A_202 = arith.addf %scan3A_150, %mul3A_201 : vector<16xf32>
          %add3A_203 = arith.constant 2 : i32
          %add3A_204 = arith.addi %mul3A_75, %add3A_203 : i32
          %mul3A_205 = arith.constant 50 : i32
          %mul3A_206 = arith.muli %add3A_204, %mul3A_205 : i32
          %add3A_207 = arith.addi %mul3A_206, %scan3A_146 : i32
          %get3A_208 = arith.index_cast %add3A_207 : i32 to index
          %get3A_209 = arith.constant 0 : index
          %get3A_210 = tpu.vector_load %arg10[%get3A_208, %get3A_209] {strides = array<i32>} : memref<1600x32xf32, #tpu.memory_space<vmem>>, vector<16xf32>,
          %mul3A_211 = arith.mulf %get3A_210, %get3A_166 : vector<16xf32>
          %add3A_212 = arith.addf %scan3A_151, %mul3A_211 : vector<16xf32>
          %get3A_213 = arith.index_cast %add3A_207 : i32 to index
          %get3A_214 = arith.constant 16 : index
          %get3A_215 = tpu.vector_load %arg10[%get3A_213, %get3A_214] {strides = array<i32>} : memref<1600x32xf32, #tpu.memory_space<vmem>>, vector<16xf32>,
          %mul3A_216 = arith.mulf %get3A_215, %get3A_172 : vector<16xf32>
          %add3A_217 = arith.addf %scan3A_152, %mul3A_216 : vector<16xf32>
          %add3A_218 = arith.constant 3 : i32
          %add3A_219 = arith.addi %mul3A_75, %add3A_218 : i32
          %mul3A_220 = arith.constant 50 : i32
          %mul3A_221 = arith.muli %add3A_219, %mul3A_220 : i32
          %add3A_222 = arith.addi %mul3A_221, %scan3A_146 : i32
          %get3A_223 = arith.index_cast %add3A_222 : i32 to index
          %get3A_224 = arith.constant 0 : index
          %get3A_225 = tpu.vector_load %arg10[%get3A_223, %get3A_224] {strides = array<i32>} : memref<1600x32xf32, #tpu.memory_space<vmem>>, vector<16xf32>,
          %mul3A_226 = arith.mulf %get3A_225, %get3A_166 : vector<16xf32>
          %add3A_227 = arith.addf %scan3A_153, %mul3A_226 : vector<16xf32>
          %get3A_228 = arith.index_cast %add3A_222 : i32 to index
          %get3A_229 = arith.constant 16 : index
          %get3A_230 = tpu.vector_load %arg10[%get3A_228, %get3A_229] {strides = array<i32>} : memref<1600x32xf32, #tpu.memory_space<vmem>>, vector<16xf32>,
          %mul3A_231 = arith.mulf %get3A_230, %get3A_172 : vector<16xf32>
          %add3A_232 = arith.addf %scan3A_154, %mul3A_231 : vector<16xf32>
          %add3A_233 = arith.constant 4 : i32
          %add3A_234 = arith.addi %mul3A_75, %add3A_233 : i32
          %mul3A_235 = arith.constant 50 : i32
          %mul3A_236 = arith.muli %add3A_234, %mul3A_235 : i32
          %add3A_237 = arith.addi %mul3A_236, %scan3A_146 : i32
          %get3A_238 = arith.index_cast %add3A_237 : i32 to index
          %get3A_239 = arith.constant 0 : index
          %get3A_240 = tpu.vector_load %arg10[%get3A_238, %get3A_239] {strides = array<i32>} : memref<1600x32xf32, #tpu.memory_space<vmem>>, vector<16xf32>,
          %mul3A_241 = arith.mulf %get3A_240, %get3A_166 : vector<16xf32>
          %add3A_242 = arith.addf %scan3A_155, %mul3A_241 : vector<16xf32>
          %get3A_243 = arith.index_cast %add3A_237 : i32 to index
          %get3A_244 = arith.constant 16 : index
          %get3A_245 = tpu.vector_load %arg10[%get3A_243, %get3A_244] {strides = array<i32>} : memref<1600x32xf32, #tpu.memory_space<vmem>>, vector<16xf32>,
          %mul3A_246 = arith.mulf %get3A_245, %get3A_172 : vector<16xf32>
          %add3A_247 = arith.addf %scan3A_156, %mul3A_246 : vector<16xf32>
          %add3A_248 = arith.constant 5 : i32
          %add3A_249 = arith.addi %mul3A_75, %add3A_248 : i32
          %mul3A_250 = arith.constant 50 : i32
          %mul3A_251 = arith.muli %add3A_249, %mul3A_250 : i32
          %add3A_252 = arith.addi %mul3A_251, %scan3A_146 : i32
          %get3A_253 = arith.index_cast %add3A_252 : i32 to index
          %get3A_254 = arith.constant 0 : index
          %get3A_255 = tpu.vector_load %arg10[%get3A_253, %get3A_254] {strides = array<i32>} : memref<1600x32xf32, #tpu.memory_space<vmem>>, vector<16xf32>,
          %mul3A_256 = arith.mulf %get3A_255, %get3A_166 : vector<16xf32>
          %add3A_257 = arith.addf %scan3A_157, %mul3A_256 : vector<16xf32>
          %get3A_258 = arith.index_cast %add3A_252 : i32 to index
          %get3A_259 = arith.constant 16 : index
          %get3A_260 = tpu.vector_load %arg10[%get3A_258, %get3A_259] {strides = array<i32>} : memref<1600x32xf32, #tpu.memory_space<vmem>>, vector<16xf32>,
          %mul3A_261 = arith.mulf %get3A_260, %get3A_172 : vector<16xf32>
          %add3A_262 = arith.addf %scan3A_158, %mul3A_261 : vector<16xf32>
          %add3A_263 = arith.constant 6 : i32
          %add3A_264 = arith.addi %mul3A_75, %add3A_263 : i32
          %mul3A_265 = arith.constant 50 : i32
          %mul3A_266 = arith.muli %add3A_264, %mul3A_265 : i32
          %add3A_267 = arith.addi %mul3A_266, %scan3A_146 : i32
          %get3A_268 = arith.index_cast %add3A_267 : i32 to index
          %get3A_269 = arith.constant 0 : index
          %get3A_270 = tpu.vector_load %arg10[%get3A_268, %get3A_269] {strides = array<i32>} : memref<1600x32xf32, #tpu.memory_space<vmem>>, vector<16xf32>,
          %mul3A_271 = arith.mulf %get3A_270, %get3A_166 : vector<16xf32>
          %add3A_272 = arith.addf %scan3A_159, %mul3A_271 : vector<16xf32>
          %get3A_273 = arith.index_cast %add3A_267 : i32 to index
          %get3A_274 = arith.constant 16 : index
          %get3A_275 = tpu.vector_load %arg10[%get3A_273, %get3A_274] {strides = array<i32>} : memref<1600x32xf32, #tpu.memory_space<vmem>>, vector<16xf32>,
          %mul3A_276 = arith.mulf %get3A_275, %get3A_172 : vector<16xf32>
          %add3A_277 = arith.addf %scan3A_160, %mul3A_276 : vector<16xf32>
          %add3A_278 = arith.constant 7 : i32
          %add3A_279 = arith.addi %mul3A_75, %add3A_278 : i32
          %mul3A_280 = arith.constant 50 : i32
          %mul3A_281 = arith.muli %add3A_279, %mul3A_280 : i32
          %add3A_282 = arith.addi %mul3A_281, %scan3A_146 : i32
          %get3A_283 = arith.index_cast %add3A_282 : i32 to index
          %get3A_284 = arith.constant 0 : index
          %get3A_285 = tpu.vector_load %arg10[%get3A_283, %get3A_284] {strides = array<i32>} : memref<1600x32xf32, #tpu.memory_space<vmem>>, vector<16xf32>,
          %mul3A_286 = arith.mulf %get3A_285, %get3A_166 : vector<16xf32>
          %add3A_287 = arith.addf %scan3A_161, %mul3A_286 : vector<16xf32>
          %get3A_288 = arith.index_cast %add3A_282 : i32 to index
          %get3A_289 = arith.constant 16 : index
          %get3A_290 = tpu.vector_load %arg10[%get3A_288, %get3A_289] {strides = array<i32>} : memref<1600x32xf32, #tpu.memory_space<vmem>>, vector<16xf32>,
          %mul3A_291 = arith.mulf %get3A_290, %get3A_172 : vector<16xf32>
          %add3A_292 = arith.addf %scan3A_162, %mul3A_291 : vector<16xf32>
          scf.yield %add3A_182, %add3A_187, %add3A_197, %add3A_202, %add3A_212, %add3A_217, %add3A_227, %add3A_232, %add3A_242, %add3A_247, %add3A_257, %add3A_262, %add3A_272, %add3A_277, %add3A_287, %add3A_292 : vector<16xf32>, vector<16xf32>, vector<16xf32>, vector<16xf32>, vector<16xf32>, vector<16xf32>, vector<16xf32>, vector<16xf32>, vector<16xf32>, vector<16xf32>, vector<16xf32>, vector<16xf32>, vector<16xf32>, vector<16xf32>, vector<16xf32>, vector<16xf32>
        }
        %scan3A_82 = arith.constant 50 : i32
        %add3A_83 = arith.addf %scan3A_81#0, %scan3A_81#1 : vector<16xf32>
        %add3A_84 = arith.addf %add3A_83, %get3A_59 : vector<16xf32>
        %add3A_85 = arith.constant 0 : i32
        %add3A_86 = arith.addi %mul3A_75, %add3A_85 : i32
        %mul3A_87 = arith.constant 16 : i32
        %mul3A_88 = arith.muli %add3A_86, %mul3A_87 : i32
        %swap3A = arith.index_cast %mul3A_88 : i32 to index
        %swap3A_89 = tpu.vector_load %arg13[%swap3A] {strides = array<i32>} : memref<512xf32, #tpu.memory_space<vmem>>, vector<16xf32>,
        tpu.vector_store %arg13[%swap3A], %add3A_84 {strides = array<i32>} : memref<512xf32, #tpu.memory_space<vmem>>, vector<16xf32>,
        %add3A_90 = arith.addf %scan3A_81#2, %scan3A_81#3 : vector<16xf32>
        %add3A_91 = arith.addf %add3A_90, %get3A_59 : vector<16xf32>
        %add3A_92 = arith.constant 1 : i32
        %add3A_93 = arith.addi %mul3A_75, %add3A_92 : i32
        %mul3A_94 = arith.constant 16 : i32
        %mul3A_95 = arith.muli %add3A_93, %mul3A_94 : i32
        %swap3A_96 = arith.index_cast %mul3A_95 : i32 to index
        %swap3A_97 = tpu.vector_load %arg13[%swap3A_96] {strides = array<i32>} : memref<512xf32, #tpu.memory_space<vmem>>, vector<16xf32>,
        tpu.vector_store %arg13[%swap3A_96], %add3A_91 {strides = array<i32>} : memref<512xf32, #tpu.memory_space<vmem>>, vector<16xf32>,
        %add3A_98 = arith.addf %scan3A_81#4, %scan3A_81#5 : vector<16xf32>
        %add3A_99 = arith.addf %add3A_98, %get3A_59 : vector<16xf32>
        %add3A_100 = arith.constant 2 : i32
        %add3A_101 = arith.addi %mul3A_75, %add3A_100 : i32
        %mul3A_102 = arith.constant 16 : i32
        %mul3A_103 = arith.muli %add3A_101, %mul3A_102 : i32
        %swap3A_104 = arith.index_cast %mul3A_103 : i32 to index
        %swap3A_105 = tpu.vector_load %arg13[%swap3A_104] {strides = array<i32>} : memref<512xf32, #tpu.memory_space<vmem>>, vector<16xf32>,
        tpu.vector_store %arg13[%swap3A_104], %add3A_99 {strides = array<i32>} : memref<512xf32, #tpu.memory_space<vmem>>, vector<16xf32>,
        %add3A_106 = arith.addf %scan3A_81#6, %scan3A_81#7 : vector<16xf32>
        %add3A_107 = arith.addf %add3A_106, %get3A_59 : vector<16xf32>
        %add3A_108 = arith.constant 3 : i32
        %add3A_109 = arith.addi %mul3A_75, %add3A_108 : i32
        %mul3A_110 = arith.constant 16 : i32
        %mul3A_111 = arith.muli %add3A_109, %mul3A_110 : i32
        %swap3A_112 = arith.index_cast %mul3A_111 : i32 to index
        %swap3A_113 = tpu.vector_load %arg13[%swap3A_112] {strides = array<i32>} : memref<512xf32, #tpu.memory_space<vmem>>, vector<16xf32>,
        tpu.vector_store %arg13[%swap3A_112], %add3A_107 {strides = array<i32>} : memref<512xf32, #tpu.memory_space<vmem>>, vector<16xf32>,
        %add3A_114 = arith.addf %scan3A_81#8, %scan3A_81#9 : vector<16xf32>
        %add3A_115 = arith.addf %add3A_114, %get3A_59 : vector<16xf32>
        %add3A_116 = arith.constant 4 : i32
        %add3A_117 = arith.addi %mul3A_75, %add3A_116 : i32
        %mul3A_118 = arith.constant 16 : i32
        %mul3A_119 = arith.muli %add3A_117, %mul3A_118 : i32
        %swap3A_120 = arith.index_cast %mul3A_119 : i32 to index
        %swap3A_121 = tpu.vector_load %arg13[%swap3A_120] {strides = array<i32>} : memref<512xf32, #tpu.memory_space<vmem>>, vector<16xf32>,
        tpu.vector_store %arg13[%swap3A_120], %add3A_115 {strides = array<i32>} : memref<512xf32, #tpu.memory_space<vmem>>, vector<16xf32>,
        %add3A_122 = arith.addf %scan3A_81#10, %scan3A_81#11 : vector<16xf32>
        %add3A_123 = arith.addf %add3A_122, %get3A_59 : vector<16xf32>
        %add3A_124 = arith.constant 5 : i32
        %add3A_125 = arith.addi %mul3A_75, %add3A_124 : i32
        %mul3A_126 = arith.constant 16 : i32
        %mul3A_127 = arith.muli %add3A_125, %mul3A_126 : i32
        %swap3A_128 = arith.index_cast %mul3A_127 : i32 to index
        %swap3A_129 = tpu.vector_load %arg13[%swap3A_128] {strides = array<i32>} : memref<512xf32, #tpu.memory_space<vmem>>, vector<16xf32>,
        tpu.vector_store %arg13[%swap3A_128], %add3A_123 {strides = array<i32>} : memref<512xf32, #tpu.memory_space<vmem>>, vector<16xf32>,
        %add3A_130 = arith.addf %scan3A_81#12, %scan3A_81#13 : vector<16xf32>
        %add3A_131 = arith.addf %add3A_130, %get3A_59 : vector<16xf32>
        %add3A_132 = arith.constant 6 : i32
        %add3A_133 = arith.addi %mul3A_75, %add3A_132 : i32
        %mul3A_134 = arith.constant 16 : i32
        %mul3A_135 = arith.muli %add3A_133, %mul3A_134 : i32
        %swap3A_136 = arith.index_cast %mul3A_135 : i32 to index
        %swap3A_137 = tpu.vector_load %arg13[%swap3A_136] {strides = array<i32>} : memref<512xf32, #tpu.memory_space<vmem>>, vector<16xf32>,
        tpu.vector_store %arg13[%swap3A_136], %add3A_131 {strides = array<i32>} : memref<512xf32, #tpu.memory_space<vmem>>, vector<16xf32>,
        %add3A_138 = arith.addf %scan3A_81#14, %scan3A_81#15 : vector<16xf32>
        %add3A_139 = arith.addf %add3A_138, %get3A_59 : vector<16xf32>
        %add3A_140 = arith.constant 7 : i32
        %add3A_141 = arith.addi %mul3A_75, %add3A_140 : i32
        %mul3A_142 = arith.constant 16 : i32
        %mul3A_143 = arith.muli %add3A_141, %mul3A_142 : i32
        %swap3A_144 = arith.index_cast %mul3A_143 : i32 to index
        %swap3A_145 = tpu.vector_load %arg13[%swap3A_144] {strides = array<i32>} : memref<512xf32, #tpu.memory_space<vmem>>, vector<16xf32>,
        tpu.vector_store %arg13[%swap3A_144], %add3A_139 {strides = array<i32>} : memref<512xf32, #tpu.memory_space<vmem>>, vector<16xf32>,
      }
      %scan3A_65 = arith.constant 4 : i32
      %mul3A_66 = arith.constant 512 : i32
      %mul3A_67 = arith.muli %add3A, %mul3A_66 : i32
      %mul3A_68 = arith.constant 32 : i32
      %mul3A_69 = arith.muli %add3A_57, %mul3A_68 : i32
      %add3A_70 = arith.addi %mul3A_67, %mul3A_69 : i32
      %mul3A_71 = arith.constant 16 : i32
      %mul3A_72 = arith.muli %add3A_70, %mul3A_71 : i32
      "tpu.region"() ({
        %run_scoped3A = tpu.sem_alloc : memref<!tpu.dma_semaphore, #tpu.memory_space<semaphore_mem>>
        %dma_start3A_73 = tpu.memref_slice %arg6[%mul3A_72] : memref<262144xf32, #tpu.memory_space<hbm>> -> memref<512xf32, #tpu.memory_space<hbm>>
        %dma_start3A_74 = tpu.memref_slice %arg6[%mul3A_72] : memref<262144xf32, #tpu.memory_space<hbm>> -> memref<512xf32, #tpu.memory_space<hbm>>
        tpu.enqueue_dma source(%arg13 : memref<512xf32, #tpu.memory_space<vmem>>) target(%dma_start3A_74 : memref<512xf32, #tpu.memory_space<hbm>>) target_semaphore(%run_scoped3A : memref<!tpu.dma_semaphore, #tpu.memory_space<semaphore_mem>>)
        %dma_wait3A_75 = tpu.memref_slice %arg6[%mul3A_72] : memref<262144xf32, #tpu.memory_space<hbm>> -> memref<512xf32, #tpu.memory_space<hbm>>
        %dma_wait3A_76 = tpu.memref_slice %arg6[%mul3A_72] : memref<262144xf32, #tpu.memory_space<hbm>> -> memref<512xf32, #tpu.memory_space<hbm>>
        tpu.wait_dma2 semaphore(%run_scoped3A : memref<!tpu.dma_semaphore, #tpu.memory_space<semaphore_mem>>) src(%arg13 : memref<512xf32, #tpu.memory_space<vmem>>) dst(%dma_wait3A_76 : memref<512xf32, #tpu.memory_space<hbm>>)
        tpu.yield
      }) : () -> ()
    }
    %scan3A_11 = arith.constant 8 : i32
    return
  }
}

module attributes {stable_mosaic.version = 14 : i64} {
  func.func @_finalize_body(%arg0: i32, %arg1: memref<2048x16xf32, #tpu.memory_space<vmem>>, %arg2: memref<2048x1xf32, #tpu.memory_space<vmem>>) attributes {dimension_semantics = [#tpu.dimension_semantics<arbitrary>], iteration_bounds = array<i64: 8>, scalar_prefetch = 0 : i64, scratch_operands = 0 : i64, tpu.core_type = #tpu.core_type<tc>, window_params = [{transform_indices = @transform_0, window_bounds = array<i64: 2048, 16>}, {transform_indices = @transform_1, window_bounds = array<i64: 2048, 1>}]} {
    %get3A = arith.constant 0 : index
    %get3A_0 = arith.constant 0 : index
    %get3A_1 = vector.load %arg1[%get3A, %get3A_0] : memref<2048x16xf32, #tpu.memory_space<vmem>>, vector<2048x16xf32>
    %reduce_sum3A = arith.constant dense<0.000000e+00> : vector<2048xf32>
    %reduce_sum3A_2 = vector.multi_reduction <add>, %get3A_1, %reduce_sum3A [1] : vector<2048x16xf32> to vector<2048xf32>
    %broadcast_in_dim3A = vector.shape_cast %reduce_sum3A_2 : vector<2048xf32> to vector<2048x1xf32>
    %neg3A = arith.constant 0.000000e+00 : f32
    %neg3A_3 = vector.broadcast %neg3A : f32 to vector<2048x1xf32>
    %neg3A_4 = arith.subf %neg3A_3, %broadcast_in_dim3A : vector<2048x1xf32>
    %exp3A = math.exp %neg3A_4 : vector<2048x1xf32>
    %add3A = arith.constant 1.000000e+00 : f32
    %add3A_5 = vector.broadcast %add3A : f32 to vector<2048x1xf32>
    %add3A_6 = arith.addf %add3A_5, %exp3A : vector<2048x1xf32>
    %div3A = arith.constant 1.000000e+00 : f32
    %div3A_7 = vector.broadcast %div3A : f32 to vector<2048x1xf32>
    %div3A_8 = arith.divf %div3A_7, %add3A_6 : vector<2048x1xf32>
    %swap3A = arith.constant 0 : index
    %swap3A_9 = arith.constant 0 : index
    %swap3A_10 = vector.load %arg2[%swap3A, %swap3A_9] : memref<2048x1xf32, #tpu.memory_space<vmem>>, vector<2048x1xf32>
    tpu.vector_store %arg2[%swap3A, %swap3A_9], %div3A_8 {strides = array<i32>} : memref<2048x1xf32, #tpu.memory_space<vmem>>, vector<2048x1xf32>,
    return
  }
  func.func @transform_0(%arg0: i32) -> (i32, i32) {
    %c0_i32 = arith.constant 0 : i32
    %c0_i32_0 = arith.constant 0 : i32
    return %arg0, %c0_i32 : i32, i32
  }
  func.func @transform_1(%arg0: i32) -> (i32, i32) {
    %c0_i32 = arith.constant 0 : i32
    %c0_i32_0 = arith.constant 0 : i32
    return %arg0, %c0_i32 : i32, i32
  }
}

</mosaic_0001>

<sc_bundles>
// kernel: kernel.4.cloned.1.call-start
scs
__scs_entry_jumppad:
0x0: {  	(pc) =	sbr.rel $0x88, $3  }
0x1: {  	(tag) =	ssettag $0x0;
	lr =	simm.s32 $0x1  }
0x2: {  	[smem:$0x3F9D] =	sst lr;
	_ =	strace $0xD0000000  }
0x3: {  	_ = 	snop  }
0x4: {  	_ = 	snop  }
0x5: {  	_ = 	snop  }
0x6: {  	_ = 	snop  }
0x7: {  	_ = 	snop  }
__scs_overlays_trampoline_lowered:
0x8: {  	[smem:$0x3FAC] =	sst s0  }
0x9: {  	[smem:$0x3FAD] =	sst s1  }
0xa: {  	[smem:$0x3FAE] =	sst s2  }
0xb: {  	[smem:$0x3FAF] =	sst s3  }
0xc: {  	[smem:$0x3FB0] =	sst s4  }
0xd: {  	[smem:$0x3FB1] =	sst s5  }
0xe: {  	[smem:$0x3FB2] =	sst s6  }
0xf: {  	[smem:$0x3FB3] =	sst s7  }
0x10: {  	[smem:$0x3FB4] =	sst s8  }
0x11: {  	[smem:$0x3FB5] =	sst s9;
	s0 =	simm.s32 @!p0 $0x0  }
0x12: {  	s1 =	sld [smem:$0x3F9B];
	s0 =	simm.s32 @p0 $0x1  }
0x13: {  	[smem:$0x3FB6] =	sst s0;
	s0 =	simm.s32 @!p1 $0x0  }
0x14: {  	s2 =	sld [smem:$0x3F9A];
	s0 =	simm.s32 @p1 $0x1  }
0x15: {  	[smem:$0x3FB7] =	sst s0;
	s0 =	simm.s32 @!p2 $0x0  }
0x16: {  	s3 =	sld [smem:$0x3FDB];
	s0 =	simm.s32 @p2 $0x1  }
0x17: {  	s4 =	simm.s32 $0x1BF5;
	[smem:$0x3FB9] =	sst s0  }
0x18: {  	s0 =	sld [smem:$0x3F9C];
	_ =	swait.ge [sflag:s4], $0x0  }
0x19: {  	s7 =	sld [smem:$0x3F9D]  }
0x1a: {  	s8 =	sadd.s32 $0xFFFFE003, lr  }
0x1b: {  	s9 =	sadd.s32 $0xFFFFFEF7, lr;
	s5 =	simm.s32 $0xFFFFFFFF;
	p2 =	slt.u32 s8, $0xFFFFF086  }
0x1c: {  	p1 =	slt.u32 s9, $0xF7A;
	s5 =	simm.s32 @!p2 $0x0  }
0x1d: {  	s5 =	simm.s32 @p1 $0x1;
	p0 =	seq.s32 s7, s2  }
0x1e: {  	s7 =	smul.u32 @!p0 $0xF7A, s2;
	p2 =	seq.s32 @!p0 s5, $0x0  }
0x1f: {  	s9 =	smul.u32 $0xF7A, s1;
	s8 =	simm.s32 @!p0 $0x1BF5;
	p2 =	por !p2, p0  }
0x20: {  	[sflag:s8] =	ssyncset.s32 @!p0 $0xFFFFF086;
	s6 =	sadd.s32 @!p0 s3, s7;
	s7 =	simm.s32 @!p0 $0x108  }
0x21: {  	s3 =	sadd.s32 s3, s9;
	s6 =	sadd.s32 @!p0 $0x88, s6;
	s7 =	simm.s32 @p2 $0x1082  }
0x22: {  	[simem:s7], [sflag:s8] =	dma.local @!p0 [hbm:s6], $0xF7A  }
0x23: {  	s9 =	sor.u32 $0xD0000000, s2;
	s6 =	simm.s32 $0x108;
	_ =	swait.ge @!p0 [sflag:s8], $0x0  }
0x24: {  	s3 =	sadd.s32 $0x88, s3;
	s6 =	simm.s32 @!p1 $0x1082;
	[sflag:s4] =	ssyncset.s32 $0xFFFFF086  }
0x25: {  	[simem:s6], [sflag:s4] =	dma.local [hbm:s3], $0xF7A  }
0x26: {  	[smem:$0x3F9D] =	sst s1;
	(tag) =	ssettag s2;
	_ =	strace s9  }
0x27: {  	s1 =	sld [smem:$0x3FAD]  }
0x28: {  	s2 =	sld [smem:$0x3FAE]  }
0x29: {  	s4 =	sld [smem:$0x3FB0]  }
0x2a: {  	p0 =	seq.s32 s5, $0x0;
	s5 =	sld [smem:$0x3FB1]  }
0x2b: {  	s6 =	sld [smem:$0x3FB2]  }
0x2c: {  	s7 =	sld [smem:$0x3FB3]  }
0x2d: {  	s3 =	simm.s32 $0x108;
	s8 =	sld [smem:$0x3FB4]  }
0x2e: {  	s3 =	simm.s32 @!p0 $0x1082;
	s9 =	sld [smem:$0x3FB5]  }
0x2f: {  	lr =	sadd.s32 s0, s3;
	s0 =	sld [smem:$0x3FAC]  }
0x30: {  	s3 =	sld [smem:$0x3FAF]  }
0x31: {  	[smem:$0x3FB8] =	sst s10  }
0x32: {  	s10 =	sld [smem:$0x3FB6];
	_ =	sdelay $0x3  }
0x33: {  	p0 =	seq.s32 s10, $0x1;
	s10 =	sld [smem:$0x3FB8];
	_ =	sdelay $0x3  }
0x34: {  	[smem:$0x3FB8] =	sst s10  }
0x35: {  	s10 =	sld [smem:$0x3FB7];
	_ =	sdelay $0x3  }
0x36: {  	p1 =	seq.s32 s10, $0x1;
	s10 =	sld [smem:$0x3FB8];
	_ =	sdelay $0x3  }
0x37: {  	[smem:$0x3FB8] =	sst s10  }
0x38: {  	s10 =	sld [smem:$0x3FB9]  }
0x39: {  	_ = 	snop;
	(pc) =	sbr.ind lr, $3  }
0x3a: {  	_ = 	snop  }
0x3b: {  	_ = 	snop  }
0x3c: {  	p2 =	seq.s32 s10, $0x1;
	s10 =	sld [smem:$0x3FB8]  }
0x3d: {  	_ =	shalt  }
0x3e: {  	_ =	shalt  }
0x3f: {  	_ =	shalt  }
0x40: {  	_ =	shalt  }
0x41: {  	_ =	shalt  }
0x42: {  	_ =	shalt  }
0x43: {  	_ =	shalt  }
0x44: {  	_ =	shalt  }
0x45: {  	_ =	shalt  }
0x46: {  	_ =	shalt  }
0x47: {  	_ =	shalt  }
0x48: {  	_ =	shalt  }
0x49: {  	_ =	shalt  }
0x4a: {  	_ =	shalt  }
0x4b: {  	_ =	shalt  }
0x4c: {  	_ =	shalt  }
0x4d: {  	_ =	shalt  }
0x4e: {  	_ =	shalt  }
0x4f: {  	_ =	shalt  }
0x50: {  	_ =	shalt  }
0x51: {  	_ =	shalt  }
0x52: {  	_ =	shalt  }
0x53: {  	_ =	shalt  }
0x54: {  	_ =	shalt  }
0x55: {  	_ =	shalt  }
0x56: {  	_ =	shalt  }
0x57: {  	_ =	shalt  }
0x58: {  	_ =	shalt  }
0x59: {  	_ =	shalt  }
0x5a: {  	_ =	shalt  }
0x5b: {  	_ =	shalt  }
0x5c: {  	_ =	shalt  }
0x5d: {  	_ =	shalt  }
0x5e: {  	_ =	shalt  }
0x5f: {  	_ =	shalt  }
0x60: {  	_ =	shalt  }
0x61: {  	_ =	shalt  }
0x62: {  	_ =	shalt  }
0x63: {  	_ =	shalt  }
0x64: {  	_ =	shalt  }
0x65: {  	_ =	shalt  }
0x66: {  	_ =	shalt  }
0x67: {  	_ =	shalt  }
0x68: {  	_ =	shalt  }
0x69: {  	_ =	shalt  }
0x6a: {  	_ =	shalt  }
0x6b: {  	_ =	shalt  }
0x6c: {  	_ =	shalt  }
0x6d: {  	_ =	shalt  }
0x6e: {  	_ =	shalt  }
0x6f: {  	_ =	shalt  }
0x70: {  	_ =	shalt  }
0x71: {  	_ =	shalt  }
0x72: {  	_ =	shalt  }
0x73: {  	_ =	shalt  }
0x74: {  	_ =	shalt  }
0x75: {  	_ =	shalt  }
0x76: {  	_ =	shalt  }
0x77: {  	_ =	shalt  }
0x78: {  	_ =	shalt  }
0x79: {  	_ =	shalt  }
0x7a: {  	_ =	shalt  }
0x7b: {  	_ =	shalt  }
0x7c: {  	_ =	shalt  }
0x7d: {  	_ =	shalt  }
0x7e: {  	_ =	shalt  }
0x7f: {  	_ =	shalt  }
0x80: {  	_ =	shalt  }
0x81: {  	_ =	shalt  }
0x82: {  	_ =	shalt  }
0x83: {  	_ =	shalt  }
0x84: {  	_ =	shalt  }
0x85: {  	_ =	shalt  }
0x86: {  	_ =	shalt  }
0x87: {  	_ =	shalt  }
.Lfunc_end0:
.L_simem_size_0:
called_computation_lowered:
.L_overlay_start_0:
0x88: {  	s2 =	sld [smem:$0x3FD9]  }
0x89: {  	s3 =	sld [smem:$0x3FFE];
	_ =	sdelay $0x1  }
0x8a: {  	s1 =	srdreg.scid  }
0x8b: {  	s0 =	sand.u32 $0x1, s1  }
0x8c: {  	s17 =	sshll.u32 s0, $0xA;
	s2 =	sadd.s32 s3, s2  }
0x8d: {  	s2 =	sadd.s32 s2, s17  }
0x8e: {  	[smem:$0x3FC4] =	sst s2  }
0x8f: {  	_ = 	snop  }
0x90: {  	s2 =	sld [smem:$0x3FD0];
	(tm) =	ssettm $0x1  }
0x91: {  	s18 =	sld [smem:$0x3FFB];
	_ =	sdelay $0x3  }
0x92: {  	_ =	strace s18  }
0x93: {  	s3 =	sld [smem:$0x3FFC];
	_ =	sdelay $0x3  }
0x94: {  	_ =	strace s3  }
0x95: {  	s3 =	sld [smem:$0x3FFD];
	_ =	sdelay $0x3  }
0x96: {  	_ =	strace s3  }
0x97: {  	_ =	strace $0x8FFFFFFF  }
0x98: {  	s19 =	sld [smem:$0x3FDB];
	_ =	sdelay $0x1  }
0x99: {  	s4 =	simm.s32 $_scs_section_size  }
0x9a: {  	s5 =	simm.s32 $_size__tile_overlayer_lowered;
	s6 =	simm.s32 $_tile_overlayer_lowered  }
0x9b: {  	s22 =	simm.s32 $0x1BFF;
	s21 =	sshll.u32 s6, $0x1;
	s3 =	sadd.s32 s4, s19  }
0x9c: {  	s7 =	simm.s32 $0x0;
	s20 =	sshll.u32 s5, $0x1;
	s5 =	sadd.s32 s21, s3  }
0x9d: {  	[timem:s7], [sflag:s22] =	dma.local [hbm:s5], s20  }
0x9e: {  	_ =	swait.ge [sflag:s22], s20  }
0x9f: {  	s4 =	ssub.s32 $0x0, s20;
	[sflag:s22] =	ssyncset.done $0x0  }
0xa0: {  	[sflag:s22] =	ssyncadd.s32 s4;
	_ =	sdelay $0x1  }
0xa1: {  	s23 =	simm.s32 $0x1B8B  }
0xa2: {  	_ =	swait.ge [sflag:s23], $0x1  }
0xa3: {  	[sflag:s23] =	ssyncset.done $0x0  }
0xa4: {  	s25 =	simm.s32 $0x1B8E;
	s24 =	sld [smem:$0x3FFE];
	[sflag:s23] =	ssyncadd.s32 $0xFFFFFFFF  }
0xa5: {  	s26 =	simm.s32 $execute0_lowered;
	[smem:$0x3FD2] =	sst s25  }
0xa6: {  	s5 =	sshll.u32 s26, $0x1;
	_ =	strace $0x80000046;
	[dreg:$0x1] =	wrdreg $0xFFFFFFFF  }
0xa7: {  	s28 =	simm.s32 $_size_execute0_lowered;
	s3 =	sadd.s32 s3, s5;
	[dreg:$0x0] =	wrdreg $0x0  }
0xa8: {  	s5 =	sshll.u32 s28, $0x1;
	[dreg:$0x2] =	wrdreg s3  }
0xa9: {  	[dreg:$0x3] =	wrdreg s5  }
0xaa: {  	[dreg:$0x4] =	wrdreg $0xC0  }
0xab: {  	_ =	task [dreg:s7], $0x5FFFF  }
0xac: {  	[dreg:$0x1] =	wrdreg $0xFFFFFFFF  }
0xad: {  	[dreg:$0x0] =	wrdreg $0x60  }
0xae: {  	[dreg:$0x2] =	wrdreg s24  }
0xaf: {  	[dreg:$0x3] =	wrdreg s2  }
0xb0: {  	[dreg:$0x4] =	wrdreg $0x9  }
0xb1: {  	_ =	task.clear_ibuf [dreg:s7], $0x5FFFF;
	_ =	strace $0x90000046  }
0xb2: {  	s29 =	simm.s32 $0x9;
	_ =	strace $0x80000048  }
0xb3: {  	_ =	swait.ge [sflag:s29], $0x1  }
0xb4: {  	[sflag:s29] =	ssyncadd.s32 $0xFFFFFFFF  }
0xb5: {  	_ =	strace $0x90000048  }
0xb6: {  	_ =	sfence  }
0xb7: {  	s30 =	sld [smem:$0x0];
	_ =	sdelay $0x2  }
0xb8: {  	s31 =	sshll.u32 s1, $0xD;
	s1 =	sshrl.u32 s1, $0x2  }
0xb9: {  	s3 =	sand.u32 $0x4000, s31;
	s1 =	sadd.s32 s1, s30  }
0xba: {  	s0 =	sor.u32 s3, s0;
	s1 =	sshll.u32 s1, $0x11  }
0xbb: {  	s0 =	sor.u32 s1, s0  }
0xbc: {  	s0 =	sadd.s32 $0x8F2B, s0  }
0xbd: {  	[sflag:s0] =	ssyncadd.remote.s32 $0x1  }
0xbe: {  	_ =	sfence.sel $0xFFFF  }
0xbf: {  	[dreg:$0x0] =	wrdreg $0xFFFFFFFF;
	(pc) =	sbr.abs _section_cstart, $3  }
0xc0: {  	[dreg:$0x1] =	wrdreg $0xFFFFFFFF  }
0xc1: {  	_ =	task.clear_ibuf [dreg:s7], $0x2FFFF;
	_ =	strace $0x9FFFFFFF  }
0xc2: {  	(tm) =	ssettm $0x7FFFFFFF  }
0xc3: {  	_ =	shalt  }
tec
execute0_lowered:
.L_overlay_start_1:
0x0: {  	(tag) =	ssettag $0x1  }
0x1: {  	s8 =	rddreg [dreg:$0x0]  }
0x2: {  	s2 =	rddreg [dreg:$0x1]  }
0x3: {  	s0 =	rddreg [dreg:$0x2];
	s3 =	simm.s32 $0x0;
	s4 =	srdreg.scid  }
0x4: {  	s1 =	stileid.u32;
	s13 =	simm.s32 $0x3;
	s14 =	simm.s32 $0x1A2C0  }
0x5: {  	s15 =	simm.s32 $0x640;
	s16 =	simm.s32 $0xC80;
	s17 =	simm.s32 $0xD480  }
0x6: {  	s18 =	simm.s32 $0x1;
	s19 =	simm.s32 $0x1A2D0;
	s20 =	simm.s32 $0x2  }
0x7: {  	s21 =	simm.s32 $0x0;
	[smem:$0x7FF] =	sst s3;
	s9 =	sand.u32 $0x1, s4  }
0x8: {  	s30 =	sshll.u32 s1, $0x1;
	s4 =	sadd.s32 $0x400, s8;
	s5 =	sadd.s32 $0xF42800, s8  }
0x9: {  	s7 =	sadd.s32 $0x19400, s8;
	s10 =	sor.u32 s9, s30;
	s9 =	ssub.s32 $0x2, s9  }
0xa: {  	s6 =	smul.u32 $0x6400, s10;
	s10 =	sshll.u32 s10, $0xA;
	s31 =	sshrl.u32 s9, $0x1  }
0xb: {  	_ =	strace $0x80000047;
	s10 =	sadd.s32 s10, s8;
	s12 =	ssub.s32 s9, s31  }
0xc: {  	s11 =	sshrl.u32 s6, $0x3;
	s9 =	sadd.s32 $0x19600, s10;
	s10 =	sadd.s32 $0xC80, s6  }
0xd: {  	s8 =	sadd.s32 s4, s11;
	s11 =	smax.u32 s12, $0x1;
	s12 =	simm.s32 $0x19C80  }
.LBB2_1:
0xe: {  	[tilespmem:s12], [sflag:$0x3] =	stream.linear.gather [hbm4b:s2+s3], $0x640, $0x38;
	[tilespmem:$0x1A4D0] =	vst v63  }
0xf: {  	_ =	swait.ge [sflag:s13], $0x640  }
0x10: {  	[sflag:s13] =	ssyncset.done $0x0  }
0x11: {  	[sflag:s13] =	ssyncadd.s32 $0xFFFFF9C0  }
0x12: {  	[tilespmem:s14], [sflag:$0x3] =	stream.linear.gather [hbm4b:s7+s3], $0x10, $0x38;
	[tilespmem:$0x1A4D0] =	vst v63  }
0x13: {  	_ =	swait.ge [sflag:s13], $0x10  }
0x14: {  	[sflag:s13] =	ssyncset.done $0x0  }
0x15: {  	[sflag:s13] =	ssyncadd.s32 $0xFFFFFFF0  }
0x16: {  	[tilespmem:s3], [sflag:$0x3] =	stream.linear.gather [hbm4b:s8+s3], $0x640, $0x38;
	[tilespmem:$0x1A4D0] =	vst v63  }
0x17: {  	_ =	swait.ge [sflag:s13], $0x640  }
0x18: {  	[sflag:s13] =	ssyncset.done $0x0  }
0x19: {  	s22 =	simm.s32 $0x0;
	[sflag:s13] =	ssyncadd.s32 $0xFFFFF9C0  }
0x1a: {  	[tilespmem:s16], [sflag:$0x1] =	stream.indirect.gather [hbm4b:s5+s15], $0x20, s3, s15, $0xb8;
	[tilespmem:$0x1A4D0] =	vst v63  }
.LBB2_2:
0x1b: {  	s23 =	sshllo.u32 s22, $0x1  }
0x1c: {  	s24 =	smul.u32 $0x640, s23;
	_ =	sdelay $0x1  }
0x1d: {  	s24 =	sadd.s32 s6, s24  }
0x1e: {  	s24 =	sshrl.u32 s24, $0x3  }
0x1f: {  	s25 =	sadd.s32 s4, s24;
	s24 =	simm.s32 $0x0  }
0x20: {  	[tilespmem:s15], [sflag:$0x3] =	stream.linear.gather [hbm4b:s25+s24], $0x640, $0x38;
	[tilespmem:$0x1A4D0] =	vst v63  }
0x21: {  	_ =	swait.ge [sflag:s13], $0x640  }
0x22: {  	[sflag:s13] =	ssyncset.done $0x0  }
0x23: {  	[sflag:s13] =	ssyncadd.s32 $0xFFFFF9C0  }
0x24: {  	[tilespmem:s17], [sflag:$0x2] =	stream.indirect.gather [hbm4b:s5+s15], $0x20, s15, s15, $0xb8;
	[tilespmem:$0x1A4D0] =	vst v63  }
0x25: {  	_ =	swait.ge [sflag:s18], $0xC800  }
0x26: {  	[sflag:s18] =	ssyncset.done $0x0  }
0x27: {  	[sflag:s18] =	ssyncadd.s32 $0xFFFF3800  }
0x28: {  	s25 =	simm.s32 $0x2580;
	v0 =	vld [tilespmem:$0x1A2C0]  }
.LBB2_3:
0x29: {  	v1 =	vmov s25;
	_ =	sdelay $0x1  }
0x2a: {  	s29 =	simm.s32 $0x0  }
0x2b: {  	v25 =	vld [tilespmem:s29+$0x19C90]  }
0x2c: {  	v27 =	vld [tilespmem:s29+$0x19C80]  }
0x2d: {  	v2 =	vld.idx.msk [tilespmem:v1+s29+$0x12D0 ss:$0x1], $0xffff  }
0x2e: {  	v24 =	vld.idx.msk [tilespmem:v1+s29+$0xFFFFE700 ss:$0x1], $0xffff  }
0x2f: {  	v3 =	vld.idx.msk [tilespmem:v1+s29+$0xFFFFE710 ss:$0x1], $0xffff  }
0x30: {  	v6 =	vld.idx.msk [tilespmem:v1+s29+$0xFFFFED40 ss:$0x1], $0xffff  }
0x31: {  	v4 =	vld.idx.msk [tilespmem:v1+s29+$0xFFFFED50 ss:$0x1], $0xffff  }
0x32: {  	v5 =	vld.idx.msk [tilespmem:v1+s29+$0xFFFFF390 ss:$0x1], $0xffff  }
0x33: {  	v9 =	vld.idx.msk [tilespmem:v1+s29+$0xFFFFF9D0 ss:$0x1], $0xffff  }
0x34: {  	v8 =	vld.idx.msk [tilespmem:v1+s29+$0xFFFFF380 ss:$0x1], $0xffff  }
0x35: {  	v10 =	vimm.f32 $0.0e+00;
	v11 =	vld.idx.msk [tilespmem:v1+s29+$0x10 ss:$0x1], $0xffff  }
0x36: {  	v21 =	vimm.f32 $0.0e+00;
	v20 =	vimm.f32 $0.0e+00;
	v19 =	vimm.f32 $0.0e+00;
	v15 =	vld.idx.msk [tilespmem:v1+s29+$0xFFFFF9C0 ss:$0x1], $0xffff  }
0x37: {  	v18 =	vimm.f32 $0.0e+00;
	v16 =	vimm.f32 $0.0e+00;
	v17 =	vld.idx.msk [tilespmem:v1+s29+$0x0 ss:$0x1], $0xffff;
	v2 =	vmul.f32 v2, v25  }
0x38: {  	v13 =	vimm.f32 $0.0e+00;
	v22 =	vld.idx.msk [tilespmem:v1+s29+$0x640 ss:$0x1], $0xffff;
	v3 =	vmul.f32 v3, v25;
	v4 =	vmul.f32 v4, v25  }
0x39: {  	v14 =	vimm.f32 $0.0e+00;
	v28 =	vld.idx.msk [tilespmem:v1+s29+$0x650 ss:$0x1], $0xffff;
	v12 =	vmul.f32 v5, v25;
	v9 =	vmul.f32 v9, v25  }
0x3a: {  	v23 =	vld.idx.msk [tilespmem:v1+s29+$0xC80 ss:$0x1], $0xffff;
	v30 =	vmul.f32 v11, v25;
	v7 =	vadd.f32 v2, v10;
	v5 =	vadd.f32 v3, v10  }
0x3b: {  	v29 =	vld.idx.msk [tilespmem:v1+s29+$0xC90 ss:$0x1], $0xffff;
	v11 =	vimm.f32 $0.0e+00;
	v3 =	vadd.f32 v4, v10;
	v2 =	vadd.f32 v12, v10  }
0x3c: {  	s26 =	simm.s32 $0x20;
	s28 =	simm.s32 $0x100;
	v26 =	vld.idx.msk [tilespmem:v1+s29+$0x12C0 ss:$0x1], $0xffff;
	v4 =	vadd.f32 v9, v10;
	v12 =	vimm.f32 $0.0e+00;
	v9 =	vimm.f32 $0.0e+00  }
.LBB2_4:
0x3d: {  	p0 =	sne.s32 s28, $0x1880;
	v31 =	vld.idx.msk [tilespmem:v1+s26+$0x12D0 ss:$0x1], $0xffff  }
0x3e: {  	v28 =	vmul.f32 v28, v25;
	v32 =	vld [tilespmem:s26+$0x19C90];
	v10 =	vadd.f32 v30, v10  }
0x3f: {  	v30 =	vld.idx.msk [tilespmem:v1+s26+$0xFFFFE700 ss:$0x1], $0xffff  }
0x40: {  	v21 =	vadd.f32 v28, v21;
	v25 =	vmul.f32 v29, v25;
	v33 =	vld.idx.msk [tilespmem:v1+s26+$0xFFFFE710 ss:$0x1], $0xffff  }
0x41: {  	v24 =	vmul.f32 v24, v27;
	v28 =	vmul.f32 v6, v27;
	v6 =	vld.idx.msk [tilespmem:v1+s26+$0xFFFFED40 ss:$0x1], $0xffff  }
0x42: {  	v34 =	vmul.f32 v8, v27;
	v35 =	vmul.f32 v15, v27;
	v20 =	vadd.f32 v25, v20;
	v29 =	vld.idx.msk [tilespmem:v1+s26+$0xFFFFED50 ss:$0x1], $0xffff  }
0x43: {  	v17 =	vmul.f32 v17, v27;
	v8 =	vld.idx.msk [tilespmem:v1+s26+$0xFFFFF380 ss:$0x1], $0xffff;
	v25 =	vmul.f32 v31, v32;
	v19 =	vadd.f32 v24, v19  }
0x44: {  	v22 =	vmul.f32 v22, v27;
	v23 =	vmul.f32 v23, v27;
	v18 =	vadd.f32 v28, v18;
	v31 =	vld.idx.msk [tilespmem:v1+s26+$0xFFFFF390 ss:$0x1], $0xffff  }
0x45: {  	v26 =	vmul.f32 v26, v27;
	v16 =	vadd.f32 v34, v16;
	v15 =	vld.idx.msk [tilespmem:v1+s26+$0xFFFFF9C0 ss:$0x1], $0xffff;
	v7 =	vadd.f32 v25, v7  }
0x46: {  	v11 =	vadd.f32 v35, v11;
	v12 =	vadd.f32 v17, v12;
	v27 =	vmul.f32 v33, v32;
	v33 =	vld.idx.msk [tilespmem:v1+s26+$0xFFFFF9D0 ss:$0x1], $0xffff  }
0x47: {  	v13 =	vadd.f32 v22, v13;
	v14 =	vadd.f32 v23, v14;
	v24 =	vmovc v30;
	v17 =	vld.idx.msk [tilespmem:v1+s26+$0x0 ss:$0x1], $0xffff;
	v25 =	vmov v32  }
0x48: {  	v9 =	vadd.f32 v26, v9;
	v5 =	vadd.f32 v27, v5;
	v23 =	vmul.f32 v29, v25;
	v30 =	vld.idx.msk [tilespmem:v1+s26+$0x10 ss:$0x1], $0xffff  }
0x49: {  	v22 =	vld.idx.msk [tilespmem:v1+s26+$0x640 ss:$0x1], $0xffff  }
.Ltmp0:
0x4a: {  	v26 =	vmul.f32 v31, v25;
	v3 =	vadd.f32 v23, v3;
	v28 =	vld.idx.msk [tilespmem:v1+s26+$0x650 ss:$0x1], $0xffff;
	(pc) =	sbr.rel @p0 .LBB2_4-.Ltmp0, $4  }
0x4b: {  	v23 =	vld.idx.msk [tilespmem:v1+s26+$0xC80 ss:$0x1], $0xffff  }
0x4c: {  	v2 =	vadd.f32 v26, v2;
	v31 =	vmul.f32 v33, v25;
	v29 =	vld.idx.msk [tilespmem:v1+s26+$0xC90 ss:$0x1], $0xffff  }
0x4d: {  	v26 =	vld.idx.msk [tilespmem:v1+s26+$0x12C0 ss:$0x1], $0xffff  }
0x4e: {  	v4 =	vadd.f32 v31, v4;
	v30 =	vmul.f32 v30, v25;
	v27 =	vld [tilespmem:s26+$0x19C80];
	s26 =	sshra.s32 s28, $0x2;
	s28 =	sadd.s32 $0x80, s28  }
0x4f: {  	_ =	sdelay $0x3  }
0x50: {  	v31 =	vld.idx.msk [tilespmem:v1+s26+$0x12D0 ss:$0x1], $0xffff  }
0x51: {  	v32 =	vld [tilespmem:s26+$0x19C90]  }
0x52: {  	v33 =	vld.idx.msk [tilespmem:v1+s26+$0xFFFFE700 ss:$0x1], $0xffff  }
0x53: {  	v34 =	vld.idx.msk [tilespmem:v1+s26+$0xFFFFE710 ss:$0x1], $0xffff  }
0x54: {  	v28 =	vmul.f32 v28, v25;
	v36 =	vld.idx.msk [tilespmem:v1+s26+$0xFFFFED50 ss:$0x1], $0xffff  }
0x55: {  	v37 =	vld.idx.msk [tilespmem:v1+s26+$0xFFFFF390 ss:$0x1], $0xffff;
	v62 =	vmul.f32 v29, v25;
	v24 =	vmul.f32 v24, v27  }
0x56: {  	v40 =	vld.idx.msk [tilespmem:v1+s26+$0x10 ss:$0x1], $0xffff;
	v6 =	vmul.f32 v6, v27;
	v8 =	vmul.f32 v8, v27  }
0x57: {  	v41 =	vld.idx.msk [tilespmem:v1+s26+$0x650 ss:$0x1], $0xffff;
	v15 =	vmul.f32 v15, v27;
	v17 =	vmul.f32 v17, v27  }
0x58: {  	v44 =	vld.idx.msk [tilespmem:v1+s26+$0xC90 ss:$0x1], $0xffff;
	v22 =	vmul.f32 v22, v27;
	v42 =	vmul.f32 v23, v27  }
0x59: {  	v46 =	vld [tilespmem:s26+$0x19C80];
	v10 =	vadd.f32 v30, v10;
	v43 =	vmul.f32 v26, v27;
	v38 =	vmul.f32 v31, v32  }
0x5a: {  	v35 =	vld.idx.msk [tilespmem:v1+s26+$0xFFFFED40 ss:$0x1], $0xffff;
	v21 =	vadd.f32 v28, v21;
	v45 =	vmul.f32 v34, v32;
	v48 =	vmul.f32 v36, v32  }
0x5b: {  	v63 =	vld.idx.msk [tilespmem:v1+s26+$0xFFFFF380 ss:$0x1], $0xffff;
	v20 =	vadd.f32 v62, v20;
	v50 =	vmul.f32 v37, v32;
	v52 =	vmul.f32 v40, v32  }
0x5c: {  	v39 =	vld.idx.msk [tilespmem:v1+s26+$0xFFFFF9D0 ss:$0x1], $0xffff;
	v54 =	vmul.f32 v41, v32;
	v19 =	vadd.f32 v24, v19;
	v6 =	vadd.f32 v6, v18  }
0x5d: {  	v49 =	vld.idx.msk [tilespmem:v1+s26+$0x0 ss:$0x1], $0xffff;
	v55 =	vmul.f32 v44, v32;
	v8 =	vadd.f32 v8, v16;
	v11 =	vadd.f32 v15, v11  }
0x5e: {  	v47 =	vld.idx.msk [tilespmem:v1+s26+$0xFFFFF9C0 ss:$0x1], $0xffff;
	v56 =	vmul.f32 v33, v46;
	v12 =	vadd.f32 v17, v12;
	v13 =	vadd.f32 v22, v13  }
0x5f: {  	v51 =	vld.idx.msk [tilespmem:v1+s26+$0x640 ss:$0x1], $0xffff;
	v57 =	vmul.f32 v35, v46;
	v14 =	vadd.f32 v42, v14;
	v9 =	vadd.f32 v43, v9  }
0x60: {  	v53 =	vld.idx.msk [tilespmem:v1+s26+$0xC80 ss:$0x1], $0xffff;
	v58 =	vmul.f32 v63, v46;
	v7 =	vadd.f32 v38, v7;
	v5 =	vadd.f32 v45, v5  }
0x61: {  	v1 =	vld.idx.msk [tilespmem:v1+s26+$0x12C0 ss:$0x1], $0xffff;
	v24 =	vmul.f32 v39, v32;
	v3 =	vadd.f32 v48, v3;
	v2 =	vadd.f32 v50, v2  }
0x62: {  	v59 =	vmul.f32 v49, v46;
	v10 =	vadd.f32 v52, v10;
	v21 =	vadd.f32 v54, v21  }
0x63: {  	v17 =	vmul.f32 v47, v46;
	v16 =	vadd.f32 v55, v20;
	v4 =	vadd.f32 v24, v4  }
0x64: {  	v60 =	vmul.f32 v51, v46;
	v19 =	vadd.f32 v56, v19;
	v6 =	vadd.f32 v57, v6  }
0x65: {  	v18 =	vmul.f32 v53, v46;
	v8 =	vadd.f32 v58, v8;
	v11 =	vadd.f32 v17, v11  }
0x66: {  	v1 =	vmul.f32 v1, v46;
	v12 =	vadd.f32 v59, v12;
	v13 =	vadd.f32 v60, v13  }
0x67: {  	v14 =	vadd.f32 v18, v14;
	v5 =	vadd.f32 v5, v19  }
0x68: {  	v1 =	vadd.f32 v1, v9;
	v3 =	vadd.f32 v3, v6  }
0x69: {  	s31 =	sshll.u32 s24, $0x7;
	v2 =	vadd.f32 v2, v8;
	v5 =	vadd.f32 v5, v0  }
0x6a: {  	s26 =	sand.u32 $0x3FFFFF80, s31;
	v1 =	vadd.f32 v7, v1;
	v3 =	vadd.f32 v3, v0  }
0x6b: {  	v4 =	vadd.f32 v4, v11;
	v2 =	vadd.f32 v2, v0;
	[tilespmem:s26+$0x1A2D0] =	vst v5  }
0x6c: {  	s24 =	sadd.s32 $0x1, s24;
	v61 =	vadd.f32 v10, v12;
	v1 =	vadd.f32 v1, v0;
	[tilespmem:s26+$0x1A2E0] =	vst v3  }
0x6d: {  	p0 =	sne.s32 s24, $0x4;
	v62 =	vadd.f32 v21, v13;
	v3 =	vadd.f32 v4, v0;
	[tilespmem:s26+$0x1A2F0] =	vst v2  }
.Ltmp1:
0x6e: {  	v63 =	vadd.f32 v16, v14;
	v2 =	vadd.f32 v61, v0;
	[tilespmem:s26+$0x1A340] =	vst v1;
	(pc) =	sbr.rel @p0 .LBB2_3-.Ltmp1, $4  }
0x6f: {  	[tilespmem:s26+$0x1A300] =	vst v3;
	v3 =	vadd.f32 v62, v0  }
0x70: {  	[tilespmem:s26+$0x1A310] =	vst v2;
	v2 =	vadd.f32 v63, v0  }
0x71: {  	[tilespmem:s26+$0x1A320] =	vst v3  }
0x72: {  	s25 =	sadd.s32 $0x3200, s25;
	[tilespmem:s26+$0x1A330] =	vst v2  }
0x73: {  	s24 =	sshll.u32 s22, $0x7;
	p0 =	seq.s32 s22, $0x7  }
0x74: {  	s24 =	sadd.s32 s24, s9;
	s25 =	smul.u32 @!p0 $0xC80, s22  }
0x75: {  	[hbm4b:s24+s3] =	stream.linear.scatter [tilespmem:s19], [sflag:$0x3], $0x200, $0x38;
	[tilespmem:$0x1A4D0] =	vst v63  }
0x76: {  	_ =	swait.ge [sflag:s13], $0x200;
	s24 =	sadd.s32 @!p0 s25, s10  }
0x77: {  	[sflag:s13] =	ssyncset.done $0x0;
	s24 =	sshrl.u32 @!p0 s24, $0x3  }
0x78: {  	s25 =	simm.s32 @!p0 $0x0;
	[sflag:s13] =	ssyncadd.s32 $0xFFFFFE00;
	s24 =	sadd.s32 @!p0 s4, s24  }
0x79: {  	[tilespmem:s25], [sflag:$0x3] =	stream.linear.gather @!p0 [hbm4b:s24+s25], $0x640, $0x38;
	[tilespmem:$0x1A4D0] =	vst v63  }
0x7a: {  	s24 =	simm.s32 @!p0 $0x3  }
0x7b: {  	_ =	swait.ge @!p0 [sflag:s24], $0x640  }
0x7c: {  	[sflag:s24] =	ssyncset.done @!p0 $0x0  }
0x7d: {  	s26 =	simm.s32 @!p0 $0xC80;
	[sflag:s24] =	ssyncadd.s32 @!p0 $0xFFFFF9C0;
	s24 =	simm.s32 @!p0 $0x640  }
0x7e: {  	[tilespmem:s26], [sflag:$0x1] =	stream.indirect.gather @!p0 [hbm4b:s5+s24], $0x20, s25, s24, $0xb8;
	[tilespmem:$0x1A4D0] =	vst v63  }
0x7f: {  	_ =	swait.ge [sflag:s20], $0xC800  }
0x80: {  	[sflag:s20] =	ssyncset.done $0x0  }
0x81: {  	[sflag:s20] =	ssyncadd.s32 $0xFFFF3800  }
0x82: {  	s24 =	simm.s32 $0x0;
	s25 =	simm.s32 $0xED80;
	v0 =	vld [tilespmem:$0x1A2C0]  }
.LBB2_7:
0x83: {  	v1 =	vmov s25;
	_ =	sdelay $0x1  }
0x84: {  	s29 =	simm.s32 $0x0  }
0x85: {  	v25 =	vld [tilespmem:s29+$0x19C90]  }
0x86: {  	v27 =	vld [tilespmem:s29+$0x19C80]  }
0x87: {  	v2 =	vld.idx.msk [tilespmem:v1+s29+$0x12D0 ss:$0x1], $0xffff  }
0x88: {  	v24 =	vld.idx.msk [tilespmem:v1+s29+$0xFFFFE700 ss:$0x1], $0xffff  }
0x89: {  	v3 =	vld.idx.msk [tilespmem:v1+s29+$0xFFFFE710 ss:$0x1], $0xffff  }
0x8a: {  	v6 =	vld.idx.msk [tilespmem:v1+s29+$0xFFFFED40 ss:$0x1], $0xffff  }
0x8b: {  	v4 =	vld.idx.msk [tilespmem:v1+s29+$0xFFFFED50 ss:$0x1], $0xffff  }
0x8c: {  	v5 =	vld.idx.msk [tilespmem:v1+s29+$0xFFFFF390 ss:$0x1], $0xffff  }
0x8d: {  	v9 =	vld.idx.msk [tilespmem:v1+s29+$0xFFFFF9D0 ss:$0x1], $0xffff  }
0x8e: {  	v8 =	vld.idx.msk [tilespmem:v1+s29+$0xFFFFF380 ss:$0x1], $0xffff  }
0x8f: {  	v10 =	vimm.f32 $0.0e+00;
	v11 =	vld.idx.msk [tilespmem:v1+s29+$0x10 ss:$0x1], $0xffff  }
0x90: {  	v21 =	vimm.f32 $0.0e+00;
	v20 =	vimm.f32 $0.0e+00;
	v19 =	vimm.f32 $0.0e+00;
	v15 =	vld.idx.msk [tilespmem:v1+s29+$0xFFFFF9C0 ss:$0x1], $0xffff  }
0x91: {  	v18 =	vimm.f32 $0.0e+00;
	v16 =	vimm.f32 $0.0e+00;
	v17 =	vld.idx.msk [tilespmem:v1+s29+$0x0 ss:$0x1], $0xffff;
	v2 =	vmul.f32 v2, v25  }
0x92: {  	v13 =	vimm.f32 $0.0e+00;
	v22 =	vld.idx.msk [tilespmem:v1+s29+$0x640 ss:$0x1], $0xffff;
	v3 =	vmul.f32 v3, v25;
	v4 =	vmul.f32 v4, v25  }
0x93: {  	v14 =	vimm.f32 $0.0e+00;
	v28 =	vld.idx.msk [tilespmem:v1+s29+$0x650 ss:$0x1], $0xffff;
	v12 =	vmul.f32 v5, v25;
	v9 =	vmul.f32 v9, v25  }
0x94: {  	v23 =	vld.idx.msk [tilespmem:v1+s29+$0xC80 ss:$0x1], $0xffff;
	v30 =	vmul.f32 v11, v25;
	v7 =	vadd.f32 v2, v10;
	v5 =	vadd.f32 v3, v10  }
0x95: {  	v29 =	vld.idx.msk [tilespmem:v1+s29+$0xC90 ss:$0x1], $0xffff;
	v11 =	vimm.f32 $0.0e+00;
	v3 =	vadd.f32 v4, v10;
	v2 =	vadd.f32 v12, v10  }
0x96: {  	s26 =	simm.s32 $0x20;
	s28 =	simm.s32 $0x100;
	v26 =	vld.idx.msk [tilespmem:v1+s29+$0x12C0 ss:$0x1], $0xffff;
	v4 =	vadd.f32 v9, v10;
	v12 =	vimm.f32 $0.0e+00;
	v9 =	vimm.f32 $0.0e+00  }
.LBB2_8:
0x97: {  	p0 =	sne.s32 s28, $0x1880;
	v31 =	vld.idx.msk [tilespmem:v1+s26+$0x12D0 ss:$0x1], $0xffff  }
0x98: {  	v28 =	vmul.f32 v28, v25;
	v32 =	vld [tilespmem:s26+$0x19C90];
	v10 =	vadd.f32 v30, v10  }
0x99: {  	v30 =	vld.idx.msk [tilespmem:v1+s26+$0xFFFFE700 ss:$0x1], $0xffff  }
0x9a: {  	v21 =	vadd.f32 v28, v21;
	v25 =	vmul.f32 v29, v25;
	v33 =	vld.idx.msk [tilespmem:v1+s26+$0xFFFFE710 ss:$0x1], $0xffff  }
0x9b: {  	v24 =	vmul.f32 v24, v27;
	v28 =	vmul.f32 v6, v27;
	v6 =	vld.idx.msk [tilespmem:v1+s26+$0xFFFFED40 ss:$0x1], $0xffff  }
0x9c: {  	v34 =	vmul.f32 v8, v27;
	v35 =	vmul.f32 v15, v27;
	v20 =	vadd.f32 v25, v20;
	v29 =	vld.idx.msk [tilespmem:v1+s26+$0xFFFFED50 ss:$0x1], $0xffff  }
0x9d: {  	v17 =	vmul.f32 v17, v27;
	v8 =	vld.idx.msk [tilespmem:v1+s26+$0xFFFFF380 ss:$0x1], $0xffff;
	v25 =	vmul.f32 v31, v32;
	v19 =	vadd.f32 v24, v19  }
0x9e: {  	v22 =	vmul.f32 v22, v27;
	v23 =	vmul.f32 v23, v27;
	v18 =	vadd.f32 v28, v18;
	v31 =	vld.idx.msk [tilespmem:v1+s26+$0xFFFFF390 ss:$0x1], $0xffff  }
0x9f: {  	v26 =	vmul.f32 v26, v27;
	v16 =	vadd.f32 v34, v16;
	v15 =	vld.idx.msk [tilespmem:v1+s26+$0xFFFFF9C0 ss:$0x1], $0xffff;
	v7 =	vadd.f32 v25, v7  }
0xa0: {  	v11 =	vadd.f32 v35, v11;
	v12 =	vadd.f32 v17, v12;
	v27 =	vmul.f32 v33, v32;
	v33 =	vld.idx.msk [tilespmem:v1+s26+$0xFFFFF9D0 ss:$0x1], $0xffff  }
0xa1: {  	v13 =	vadd.f32 v22, v13;
	v14 =	vadd.f32 v23, v14;
	v24 =	vmovc v30;
	v17 =	vld.idx.msk [tilespmem:v1+s26+$0x0 ss:$0x1], $0xffff;
	v25 =	vmov v32  }
0xa2: {  	v9 =	vadd.f32 v26, v9;
	v5 =	vadd.f32 v27, v5;
	v23 =	vmul.f32 v29, v25;
	v30 =	vld.idx.msk [tilespmem:v1+s26+$0x10 ss:$0x1], $0xffff  }
0xa3: {  	v22 =	vld.idx.msk [tilespmem:v1+s26+$0x640 ss:$0x1], $0xffff  }
.Ltmp2:
0xa4: {  	v26 =	vmul.f32 v31, v25;
	v3 =	vadd.f32 v23, v3;
	v28 =	vld.idx.msk [tilespmem:v1+s26+$0x650 ss:$0x1], $0xffff;
	(pc) =	sbr.rel @p0 .LBB2_8-.Ltmp2, $4  }
0xa5: {  	v23 =	vld.idx.msk [tilespmem:v1+s26+$0xC80 ss:$0x1], $0xffff  }
0xa6: {  	v2 =	vadd.f32 v26, v2;
	v31 =	vmul.f32 v33, v25;
	v29 =	vld.idx.msk [tilespmem:v1+s26+$0xC90 ss:$0x1], $0xffff  }
0xa7: {  	v26 =	vld.idx.msk [tilespmem:v1+s26+$0x12C0 ss:$0x1], $0xffff  }
0xa8: {  	v4 =	vadd.f32 v31, v4;
	v30 =	vmul.f32 v30, v25;
	v27 =	vld [tilespmem:s26+$0x19C80];
	s26 =	sshra.s32 s28, $0x2;
	s28 =	sadd.s32 $0x80, s28  }
0xa9: {  	_ =	sdelay $0x3  }
0xaa: {  	v31 =	vld.idx.msk [tilespmem:v1+s26+$0x12D0 ss:$0x1], $0xffff  }
0xab: {  	v32 =	vld [tilespmem:s26+$0x19C90]  }
0xac: {  	v33 =	vld.idx.msk [tilespmem:v1+s26+$0xFFFFE700 ss:$0x1], $0xffff  }
0xad: {  	v34 =	vld.idx.msk [tilespmem:v1+s26+$0xFFFFE710 ss:$0x1], $0xffff  }
0xae: {  	v28 =	vmul.f32 v28, v25;
	v36 =	vld.idx.msk [tilespmem:v1+s26+$0xFFFFED50 ss:$0x1], $0xffff  }
0xaf: {  	v37 =	vld.idx.msk [tilespmem:v1+s26+$0xFFFFF390 ss:$0x1], $0xffff;
	v62 =	vmul.f32 v29, v25;
	v24 =	vmul.f32 v24, v27  }
0xb0: {  	v40 =	vld.idx.msk [tilespmem:v1+s26+$0x10 ss:$0x1], $0xffff;
	v6 =	vmul.f32 v6, v27;
	v8 =	vmul.f32 v8, v27  }
0xb1: {  	v41 =	vld.idx.msk [tilespmem:v1+s26+$0x650 ss:$0x1], $0xffff;
	v15 =	vmul.f32 v15, v27;
	v17 =	vmul.f32 v17, v27  }
0xb2: {  	v44 =	vld.idx.msk [tilespmem:v1+s26+$0xC90 ss:$0x1], $0xffff;
	v22 =	vmul.f32 v22, v27;
	v42 =	vmul.f32 v23, v27  }
0xb3: {  	v46 =	vld [tilespmem:s26+$0x19C80];
	v10 =	vadd.f32 v30, v10;
	v43 =	vmul.f32 v26, v27;
	v38 =	vmul.f32 v31, v32  }
0xb4: {  	v35 =	vld.idx.msk [tilespmem:v1+s26+$0xFFFFED40 ss:$0x1], $0xffff;
	v21 =	vadd.f32 v28, v21;
	v45 =	vmul.f32 v34, v32;
	v48 =	vmul.f32 v36, v32  }
0xb5: {  	v63 =	vld.idx.msk [tilespmem:v1+s26+$0xFFFFF380 ss:$0x1], $0xffff;
	v20 =	vadd.f32 v62, v20;
	v50 =	vmul.f32 v37, v32;
	v52 =	vmul.f32 v40, v32  }
0xb6: {  	v39 =	vld.idx.msk [tilespmem:v1+s26+$0xFFFFF9D0 ss:$0x1], $0xffff;
	v54 =	vmul.f32 v41, v32;
	v19 =	vadd.f32 v24, v19;
	v6 =	vadd.f32 v6, v18  }
0xb7: {  	v49 =	vld.idx.msk [tilespmem:v1+s26+$0x0 ss:$0x1], $0xffff;
	v55 =	vmul.f32 v44, v32;
	v8 =	vadd.f32 v8, v16;
	v11 =	vadd.f32 v15, v11  }
0xb8: {  	v47 =	vld.idx.msk [tilespmem:v1+s26+$0xFFFFF9C0 ss:$0x1], $0xffff;
	v56 =	vmul.f32 v33, v46;
	v12 =	vadd.f32 v17, v12;
	v13 =	vadd.f32 v22, v13  }
0xb9: {  	v51 =	vld.idx.msk [tilespmem:v1+s26+$0x640 ss:$0x1], $0xffff;
	v57 =	vmul.f32 v35, v46;
	v14 =	vadd.f32 v42, v14;
	v9 =	vadd.f32 v43, v9  }
0xba: {  	v53 =	vld.idx.msk [tilespmem:v1+s26+$0xC80 ss:$0x1], $0xffff;
	v58 =	vmul.f32 v63, v46;
	v7 =	vadd.f32 v38, v7;
	v5 =	vadd.f32 v45, v5  }
0xbb: {  	v1 =	vld.idx.msk [tilespmem:v1+s26+$0x12C0 ss:$0x1], $0xffff;
	v24 =	vmul.f32 v39, v32;
	v3 =	vadd.f32 v48, v3;
	v2 =	vadd.f32 v50, v2  }
0xbc: {  	v59 =	vmul.f32 v49, v46;
	v10 =	vadd.f32 v52, v10;
	v21 =	vadd.f32 v54, v21  }
0xbd: {  	v17 =	vmul.f32 v47, v46;
	v16 =	vadd.f32 v55, v20;
	v4 =	vadd.f32 v24, v4  }
0xbe: {  	v60 =	vmul.f32 v51, v46;
	v19 =	vadd.f32 v56, v19;
	v6 =	vadd.f32 v57, v6  }
0xbf: {  	v18 =	vmul.f32 v53, v46;
	v8 =	vadd.f32 v58, v8;
	v11 =	vadd.f32 v17, v11  }
0xc0: {  	v1 =	vmul.f32 v1, v46;
	v12 =	vadd.f32 v59, v12;
	v13 =	vadd.f32 v60, v13  }
0xc1: {  	v14 =	vadd.f32 v18, v14;
	v5 =	vadd.f32 v5, v19  }
0xc2: {  	v1 =	vadd.f32 v1, v9;
	v3 =	vadd.f32 v3, v6  }
0xc3: {  	s31 =	sshll.u32 s24, $0x7;
	v2 =	vadd.f32 v2, v8;
	v5 =	vadd.f32 v5, v0  }
0xc4: {  	s26 =	sand.u32 $0x3FFFFF80, s31;
	v1 =	vadd.f32 v7, v1;
	v3 =	vadd.f32 v3, v0  }
0xc5: {  	v4 =	vadd.f32 v4, v11;
	v2 =	vadd.f32 v2, v0;
	[tilespmem:s26+$0x1A2D0] =	vst v5  }
0xc6: {  	s24 =	sadd.s32 $0x1, s24;
	v61 =	vadd.f32 v10, v12;
	v1 =	vadd.f32 v1, v0;
	[tilespmem:s26+$0x1A2E0] =	vst v3  }
0xc7: {  	p0 =	sne.s32 s24, $0x4;
	v62 =	vadd.f32 v21, v13;
	v3 =	vadd.f32 v4, v0;
	[tilespmem:s26+$0x1A2F0] =	vst v2  }
.Ltmp3:
0xc8: {  	v63 =	vadd.f32 v16, v14;
	v2 =	vadd.f32 v61, v0;
	[tilespmem:s26+$0x1A340] =	vst v1;
	(pc) =	sbr.rel @p0 .LBB2_7-.Ltmp3, $4  }
0xc9: {  	[tilespmem:s26+$0x1A300] =	vst v3;
	v3 =	vadd.f32 v62, v0  }
0xca: {  	[tilespmem:s26+$0x1A310] =	vst v2;
	v2 =	vadd.f32 v63, v0  }
0xcb: {  	[tilespmem:s26+$0x1A320] =	vst v3  }
0xcc: {  	s25 =	sadd.s32 $0x3200, s25;
	[tilespmem:s26+$0x1A330] =	vst v2  }
0xcd: {  	s22 =	sadd.s32 $0x1, s22  }
0xce: {  	s23 =	sshll.u32 s23, $0x6;
	p0 =	sne.s32 s22, $0x8  }
.Ltmp4:
0xcf: {  	s23 =	sadd.s32 s23, s9;
	(pc) =	sbr.rel @p0 .LBB2_2-.Ltmp4, $4  }
0xd0: {  	[hbm4b:s23+s3] =	stream.linear.scatter [tilespmem:s19], [sflag:$0x3], $0x200, $0x38;
	[tilespmem:$0x1A4D0] =	vst v63  }
0xd1: {  	_ =	swait.ge [sflag:s13], $0x200  }
0xd2: {  	[sflag:s13] =	ssyncset.done $0x0  }
0xd3: {  	[sflag:s13] =	ssyncadd.s32 $0xFFFFFE00  }
0xd4: {  	s21 =	sadd.s32 $0x1, s21  }
0xd5: {  	p0 =	sne.s32 s21, s11  }
.Ltmp5:
0xd6: {  	_ = 	snop;
	(pc) =	sbr.rel @p0 .LBB2_1-.Ltmp5, $1  }
0xd7: {  	_ =	sdelay $0x3  }
0xd8: {  	_ =	sfence.sel $0x180000  }
0xd9: {  	[bflag:$0x0] =	sbarrier.arrive $0xFFFF  }
0xda: {  	p0 =	sne.s32 s1, $0x0;
	_ =	strace $0x90000047  }
0xdb: {  	s0 =	sadd.s32 @!p0 $0x100000, s0;
	[bflag:$0x2] =	sbarrier.arrive $0xFFFF  }
0xdc: {  	[sflag:s0] =	ssyncadd.tile.s32 @!p0 $0x1;
	_ =	shalt  }
.Lfunc_end2:
_tile_overlayer_lowered:
.L_overlay_start_2:
0xdd: {  	(tag) =	ssettag $0x2  }
0xde: {  	s0 =	rddreg [dreg:$0x0];
	s2 =	stileid.u32  }
0xdf: {  	s1 =	rddreg [dreg:$0x1];
	p0 =	sne.s32 s2, $0x0  }
0xe0: {  	s3 =	rddreg [dreg:$0x2];
	[bflag:$0x3] =	sbarrier.arrive $0xFFFF;
	s2 =	simm.s32 @!p0 $0x1C03  }
0xe1: {  	[timem:s3], [sflag:s2] =	dma.local @!p0 [hbm:s0], s1  }
0xe2: {  	s0 =	simm.s32 @!p0 $0x3  }
0xe3: {  	_ =	swait.ge @!p0 [sflag:s0], s1  }
0xe4: {  	s1 =	ssub.s32 @!p0 $0x0, s1;
	[sflag:s0] =	ssyncset.done @!p0 $0x0  }
0xe5: {  	[sflag:s0] =	ssyncadd.s32 @!p0 s1  }
0xe6: {  	[bflag:$0x3] =	sbarrier.arrive $0xFFFF  }
0xe7: {  	_ =	shalt  }

</sc_bundles>
